<compile_context>
chip_gen: v7x
topology: tpu7x:2x2x1
jax: 0.10.2.dev20260603
libtpu: 0.0.44.dev20260713+nightly
codegen_flags: <defaults>
</compile_context>

<pallas_src>
import functools

import jax
import jax.numpy as jnp
from jax import lax
from jax.experimental import pallas as pl
from jax.experimental.pallas import tpu as pltpu
from jax.experimental.pallas import tpu_sc as plsc

NUM_EMBEDDINGS = 1000000
EMBEDDING_DIM = 32
BATCH = 16384
N_FIELDS = 26

NUM_CORES = 2
NUM_SUBCORES = 16
NW = NUM_CORES * NUM_SUBCORES
ROWS_PER_W = BATCH // NW
R_CHUNK = 32
N_CHUNKS = ROWS_PER_W // R_CHUNK
NBUF = 4


@functools.partial(
    pl.kernel,
    out_type=jax.ShapeDtypeStruct((BATCH, N_FIELDS, EMBEDDING_DIM), jnp.float32),
    mesh=plsc.VectorSubcoreMesh(core_axis_name="c", subcore_axis_name="s"),
    scratch_types=[
        pltpu.VMEM((ROWS_PER_W, N_FIELDS), jnp.int32),
        pltpu.VMEM((NBUF, R_CHUNK, N_FIELDS, EMBEDDING_DIM), jnp.float32),
        pltpu.SemaphoreType.DMA,
        pltpu.SemaphoreType.DMA,
    ],
    compiler_params=pltpu.CompilerParams(use_tc_tiling_on_sc=False),
)
def _gather_sc(table_hbm, idx_hbm, out_hbm, idx_v, rows_v, sem_g, sem_s):
    wid = lax.axis_index("s") * NUM_CORES + lax.axis_index("c")
    base = wid * ROWS_PER_W

    pltpu.sync_copy(idx_hbm.at[pl.ds(base, ROWS_PER_W)], idx_v)

    def gather(i):
        b = i % NBUF

        def issue(j, _):
            pltpu.async_copy(
                table_hbm.at[idx_v.at[i * R_CHUNK + j]],
                rows_v.at[b, j], sem_g)
            return 0

        lax.fori_loop(0, R_CHUNK, issue, 0)
        return pltpu.make_async_copy(
            out_hbm.at[pl.ds(0, R_CHUNK)], rows_v.at[b], sem_g)

    def store(i):
        return pltpu.async_copy(
            rows_v.at[i % NBUF],
            out_hbm.at[pl.ds(base + i * R_CHUNK, R_CHUNK)], sem_s)

    gathers = [gather(0), gather(1)]
    stores = []
    for i in range(N_CHUNKS):
        gathers[i].wait()
        nxt = i + 2
        if nxt < N_CHUNKS:
            if nxt >= NBUF:
                stores[nxt - NBUF].wait()
            gathers.append(gather(nxt))
        stores.append(store(i))
    for j in range(max(0, N_CHUNKS - NBUF), N_CHUNKS):
        stores[j].wait()


def kernel(input, weight):
    return _gather_sc(weight, input)

# --- scband reference (transcript-rebuilt; emitter-appended) ---
"""Pipeline reference for scband-rotate-embedding-11776800325964 (READ-ONLY COPY).

The authoritative reference and input builder live on the scoring server;
editing this copy changes nothing except your own understanding.
"""

import jax, jax.numpy as jnp
import numpy as np

NUM_EMBEDDINGS = 1000000
EMBEDDING_DIM = 32
BATCH = 16384
N_FIELDS = 26

def setup_inputs(seed: int = 0) -> dict:
    key = jax.random.key(seed)
    k_idx, k_w = jax.random.split(key)
    input_ids = jax.random.randint(k_idx, (BATCH, N_FIELDS), 0, NUM_EMBEDDINGS, dtype=jnp.int64 if jax.config.jax_enable_x64 else jnp.int32)
    weight = jax.random.normal(k_w, (NUM_EMBEDDINGS, EMBEDDING_DIM), dtype=jnp.float32) * 0.01
    return {"input": input_ids, "weight": weight}

def reference(input, weight):
    # w_rot is None and padding_idx/max_norm are None, so _rotate_weight
    # returns self.weight unchanged and F.embedding is a plain gather.
    tmp_weight = weight
    out = jnp.take(tmp_weight, input, axis=0)
    return out

if __name__ == "__main__":
    import jax
    _d = setup_inputs()
    print(jax.jit(kernel)(*tuple(_d.values())))

</pallas_src>

<mosaic_0001>
#map = affine_map<(d0, d1) -> (0, 0)>
#map1 = affine_map<(d0, d1) -> (0, 0, 0)>
module attributes {stable_mosaic.version = 14 : i64} {
  func.func @_gather_sc(%arg0: i32, %arg1: i32, %arg2: memref<1000000x32xf32, #tpu.memory_space<hbm>>, %arg3: memref<16384x26xi32, #tpu.memory_space<hbm>>, %arg4: memref<16384x26x32xf32, #tpu.memory_space<hbm>>, %arg5: memref<512x26xi32, #tpu.memory_space<vmem>>, %arg6: memref<4x32x26x32xf32, #tpu.memory_space<vmem>>, %arg7: memref<!tpu.dma_semaphore, #tpu.memory_space<semaphore_mem>>, %arg8: memref<!tpu.dma_semaphore, #tpu.memory_space<semaphore_mem>>) attributes {dimension_semantics = [#tpu.dimension_semantics<core_parallel>, #tpu.dimension_semantics<subcore_parallel>], iteration_bounds = array<i64: 2, 16>, scalar_prefetch = 0 : i64, scratch_operands = 4 : i64, tpu.core_type = #tpu.core_type<sc_vector_subcore>, window_params = [{transform_indices = #map}, {transform_indices = #map}, {transform_indices = #map1}]} {
    %mul3A = arith.constant 2 : i32
    %mul3A_0 = arith.muli %arg1, %mul3A : i32
    %add3A = arith.addi %mul3A_0, %arg0 : i32
    %mul3A_1 = arith.constant 512 : i32
    %mul3A_2 = arith.muli %add3A, %mul3A_1 : i32
    "tpu.region"() ({
      %run_scoped3A = tpu.sem_alloc : memref<!tpu.dma_semaphore, #tpu.memory_space<semaphore_mem>>
      %dma_start3A_992 = arith.constant 0 : i32
      %dma_start3A_993 = tpu.memref_slice %arg3[%mul3A_2, %dma_start3A_992] : memref<16384x26xi32, #tpu.memory_space<hbm>> -> memref<512x26xi32, #tpu.memory_space<hbm>>
      %dma_start3A_994 = arith.constant 0 : i32
      %dma_start3A_995 = tpu.memref_slice %arg3[%mul3A_2, %dma_start3A_994] : memref<16384x26xi32, #tpu.memory_space<hbm>> -> memref<512x26xi32, #tpu.memory_space<hbm>>
      tpu.enqueue_dma source(%dma_start3A_995 : memref<512x26xi32, #tpu.memory_space<hbm>>) target(%arg5 : memref<512x26xi32, #tpu.memory_space<vmem>>) target_semaphore(%run_scoped3A : memref<!tpu.dma_semaphore, #tpu.memory_space<semaphore_mem>>)
      %dma_wait3A_996 = arith.constant 0 : i32
      %dma_wait3A_997 = tpu.memref_slice %arg3[%mul3A_2, %dma_wait3A_996] : memref<16384x26xi32, #tpu.memory_space<hbm>> -> memref<512x26xi32, #tpu.memory_space<hbm>>
      %dma_wait3A_998 = arith.constant 0 : i32
      %dma_wait3A_999 = tpu.memref_slice %arg3[%mul3A_2, %dma_wait3A_998] : memref<16384x26xi32, #tpu.memory_space<hbm>> -> memref<512x26xi32, #tpu.memory_space<hbm>>
      tpu.wait_dma2 semaphore(%run_scoped3A : memref<!tpu.dma_semaphore, #tpu.memory_space<semaphore_mem>>) src(%dma_wait3A_999 : memref<512x26xi32, #tpu.memory_space<hbm>>) dst(%arg5 : memref<512x26xi32, #tpu.memory_space<vmem>>)
      tpu.yield
    }) : () -> ()
    %scan3A = arith.constant 0 : i32
    %scan3A_3 = arith.constant 0 : i32
    %scan3A_4 = arith.constant 32 : i32
    %scan3A_5 = arith.addi %scan3A_3, %scan3A_4 : i32
    %scan3A_6 = arith.constant 1 : i32
    %scan3A_7 = scf.for %scan3A_992 = %scan3A_3 to %scan3A_5 step %scan3A_6 iter_args(%scan3A_993 = %scan3A) -> (i32)  : i32 {
      %add3A_994 = arith.constant 0 : i32
      %add3A_995 = arith.addi %add3A_994, %scan3A_992 : i32
      %dma_start3A_996 = arith.constant 0 : i32
      %dma_start3A_997 = arith.constant 0 : i32
      %dma_start3A_998 = arith.constant 0 : i32
      %dma_start3A_999 = tpu.memref_slice %arg6[%dma_start3A_996, %scan3A_992, %dma_start3A_997, %dma_start3A_998] : memref<4x32x26x32xf32, #tpu.memory_space<vmem>> -> memref<1x1x26x32xf32, #tpu.memory_space<vmem>>
      %dma_start3A_1000 = tpu.memref_squeeze %dma_start3A_999 : memref<1x1x26x32xf32, #tpu.memory_space<vmem>> -> memref<26x32xf32, #tpu.memory_space<vmem>>
      %dma_start3A_1001 = arith.constant 0 : i32
      %dma_start3A_1002 = tpu.memref_slice %arg5[%add3A_995, %dma_start3A_1001] : memref<512x26xi32, #tpu.memory_space<vmem>> -> memref<1x26xi32, #tpu.memory_space<vmem>>
      %dma_start3A_1003 = tpu.memref_squeeze %dma_start3A_1002 : memref<1x26xi32, #tpu.memory_space<vmem>> -> memref<26xi32, #tpu.memory_space<vmem>>
      %dma_start3A_1004 = arith.constant 0 : i32
      %dma_start3A_1005 = arith.constant 0 : i32
      %dma_start3A_1006 = tpu.memref_slice %arg2[%dma_start3A_1004, %dma_start3A_1005] : memref<1000000x32xf32, #tpu.memory_space<hbm>> -> memref<1000000x32xf32, #tpu.memory_space<hbm>>
      tpu.enqueue_indirect_dma source(%dma_start3A_1006 : memref<1000000x32xf32, #tpu.memory_space<hbm>>) target(%dma_start3A_1000 : memref<26x32xf32, #tpu.memory_space<vmem>>) offsets(%dma_start3A_1003 : memref<26xi32, #tpu.memory_space<vmem>>) semaphore(%arg7 : memref<!tpu.dma_semaphore, #tpu.memory_space<semaphore_mem>>)
      %scan3A_1007 = arith.constant 0 : i32
      scf.yield %scan3A_1007 : i32
    }
    %scan3A_8 = arith.constant 32 : i32
    %scan3A_9 = arith.constant 0 : i32
    %scan3A_10 = arith.constant 0 : i32
    %scan3A_11 = arith.constant 32 : i32
    %scan3A_12 = arith.addi %scan3A_10, %scan3A_11 : i32
    %scan3A_13 = arith.constant 1 : i32
    %scan3A_14 = scf.for %scan3A_992 = %scan3A_10 to %scan3A_12 step %scan3A_13 iter_args(%scan3A_993 = %scan3A_9) -> (i32)  : i32 {
      %add3A_994 = arith.constant 32 : i32
      %add3A_995 = arith.addi %add3A_994, %scan3A_992 : i32
      %dma_start3A_996 = arith.constant 1 : i32
      %dma_start3A_997 = arith.constant 0 : i32
      %dma_start3A_998 = arith.constant 0 : i32
      %dma_start3A_999 = tpu.memref_slice %arg6[%dma_start3A_996, %scan3A_992, %dma_start3A_997, %dma_start3A_998] : memref<4x32x26x32xf32, #tpu.memory_space<vmem>> -> memref<1x1x26x32xf32, #tpu.memory_space<vmem>>
      %dma_start3A_1000 = tpu.memref_squeeze %dma_start3A_999 : memref<1x1x26x32xf32, #tpu.memory_space<vmem>> -> memref<26x32xf32, #tpu.memory_space<vmem>>
      %dma_start3A_1001 = arith.constant 0 : i32
      %dma_start3A_1002 = tpu.memref_slice %arg5[%add3A_995, %dma_start3A_1001] : memref<512x26xi32, #tpu.memory_space<vmem>> -> memref<1x26xi32, #tpu.memory_space<vmem>>
      %dma_start3A_1003 = tpu.memref_squeeze %dma_start3A_1002 : memref<1x26xi32, #tpu.memory_space<vmem>> -> memref<26xi32, #tpu.memory_space<vmem>>
      %dma_start3A_1004 = arith.constant 0 : i32
      %dma_start3A_1005 = arith.constant 0 : i32
      %dma_start3A_1006 = tpu.memref_slice %arg2[%dma_start3A_1004, %dma_start3A_1005] : memref<1000000x32xf32, #tpu.memory_space<hbm>> -> memref<1000000x32xf32, #tpu.memory_space<hbm>>
      tpu.enqueue_indirect_dma source(%dma_start3A_1006 : memref<1000000x32xf32, #tpu.memory_space<hbm>>) target(%dma_start3A_1000 : memref<26x32xf32, #tpu.memory_space<vmem>>) offsets(%dma_start3A_1003 : memref<26xi32, #tpu.memory_space<vmem>>) semaphore(%arg7 : memref<!tpu.dma_semaphore, #tpu.memory_space<semaphore_mem>>)
      %scan3A_1007 = arith.constant 0 : i32
      scf.yield %scan3A_1007 : i32
    }
    %scan3A_15 = arith.constant 32 : i32
    %dma_wait3A = arith.constant 0 : i32
    %dma_wait3A_16 = arith.constant 0 : i32
    %dma_wait3A_17 = arith.constant 0 : i32
    %dma_wait3A_18 = arith.constant 0 : i32
    %dma_wait3A_19 = tpu.memref_slice %arg6[%dma_wait3A, %dma_wait3A_16, %dma_wait3A_17, %dma_wait3A_18] : memref<4x32x26x32xf32, #tpu.memory_space<vmem>> -> memref<1x32x26x32xf32, #tpu.memory_space<vmem>>
    %dma_wait3A_20 = tpu.memref_squeeze %dma_wait3A_19 : memref<1x32x26x32xf32, #tpu.memory_space<vmem>> -> memref<32x26x32xf32, #tpu.memory_space<vmem>>
    %dma_wait3A_21 = arith.constant 0 : i32
    %dma_wait3A_22 = arith.constant 0 : i32
    %dma_wait3A_23 = arith.constant 0 : i32
    %dma_wait3A_24 = tpu.memref_slice %arg4[%dma_wait3A_21, %dma_wait3A_22, %dma_wait3A_23] : memref<16384x26x32xf32, #tpu.memory_space<hbm>> -> memref<32x26x32xf32, #tpu.memory_space<hbm>>
    %dma_wait3A_25 = arith.constant 0 : i32
    %dma_wait3A_26 = arith.constant 0 : i32
    %dma_wait3A_27 = arith.constant 0 : i32
    %dma_wait3A_28 = tpu.memref_slice %arg6[%dma_wait3A, %dma_wait3A_25, %dma_wait3A_26, %dma_wait3A_27] : memref<4x32x26x32xf32, #tpu.memory_space<vmem>> -> memref<1x32x26x32xf32, #tpu.memory_space<vmem>>
    %dma_wait3A_29 = tpu.memref_squeeze %dma_wait3A_28 : memref<1x32x26x32xf32, #tpu.memory_space<vmem>> -> memref<32x26x32xf32, #tpu.memory_space<vmem>>
    %dma_wait3A_30 = arith.constant 0 : i32
    %dma_wait3A_31 = arith.constant 0 : i32
    %dma_wait3A_32 = arith.constant 0 : i32
    %dma_wait3A_33 = tpu.memref_slice %arg4[%dma_wait3A_30, %dma_wait3A_31, %dma_wait3A_32] : memref<16384x26x32xf32, #tpu.memory_space<hbm>> -> memref<32x26x32xf32, #tpu.memory_space<hbm>>
    tpu.wait_dma2 semaphore(%arg7 : memref<!tpu.dma_semaphore, #tpu.memory_space<semaphore_mem>>) src(%dma_wait3A_33 : memref<32x26x32xf32, #tpu.memory_space<hbm>>) dst(%dma_wait3A_29 : memref<32x26x32xf32, #tpu.memory_space<vmem>>)
    %scan3A_34 = arith.constant 0 : i32
    %scan3A_35 = arith.constant 0 : i32
    %scan3A_36 = arith.constant 32 : i32
    %scan3A_37 = arith.addi %scan3A_35, %scan3A_36 : i32
    %scan3A_38 = arith.constant 1 : i32
    %scan3A_39 = scf.for %scan3A_992 = %scan3A_35 to %scan3A_37 step %scan3A_38 iter_args(%scan3A_993 = %scan3A_34) -> (i32)  : i32 {
      %add3A_994 = arith.constant 64 : i32
      %add3A_995 = arith.addi %add3A_994, %scan3A_992 : i32
      %dma_start3A_996 = arith.constant 2 : i32
      %dma_start3A_997 = arith.constant 0 : i32
      %dma_start3A_998 = arith.constant 0 : i32
      %dma_start3A_999 = tpu.memref_slice %arg6[%dma_start3A_996, %scan3A_992, %dma_start3A_997, %dma_start3A_998] : memref<4x32x26x32xf32, #tpu.memory_space<vmem>> -> memref<1x1x26x32xf32, #tpu.memory_space<vmem>>
      %dma_start3A_1000 = tpu.memref_squeeze %dma_start3A_999 : memref<1x1x26x32xf32, #tpu.memory_space<vmem>> -> memref<26x32xf32, #tpu.memory_space<vmem>>
      %dma_start3A_1001 = arith.constant 0 : i32
      %dma_start3A_1002 = tpu.memref_slice %arg5[%add3A_995, %dma_start3A_1001] : memref<512x26xi32, #tpu.memory_space<vmem>> -> memref<1x26xi32, #tpu.memory_space<vmem>>
      %dma_start3A_1003 = tpu.memref_squeeze %dma_start3A_1002 : memref<1x26xi32, #tpu.memory_space<vmem>> -> memref<26xi32, #tpu.memory_space<vmem>>
      %dma_start3A_1004 = arith.constant 0 : i32
      %dma_start3A_1005 = arith.constant 0 : i32
      %dma_start3A_1006 = tpu.memref_slice %arg2[%dma_start3A_1004, %dma_start3A_1005] : memref<1000000x32xf32, #tpu.memory_space<hbm>> -> memref<1000000x32xf32, #tpu.memory_space<hbm>>
      tpu.enqueue_indirect_dma source(%dma_start3A_1006 : memref<1000000x32xf32, #tpu.memory_space<hbm>>) target(%dma_start3A_1000 : memref<26x32xf32, #tpu.memory_space<vmem>>) offsets(%dma_start3A_1003 : memref<26xi32, #tpu.memory_space<vmem>>) semaphore(%arg7 : memref<!tpu.dma_semaphore, #tpu.memory_space<semaphore_mem>>)
      %scan3A_1007 = arith.constant 0 : i32
      scf.yield %scan3A_1007 : i32
    }
    %scan3A_40 = arith.constant 32 : i32
    %add3A_41 = arith.constant 0 : i32
    %add3A_42 = arith.addi %mul3A_2, %add3A_41 : i32
    %dma_start3A = arith.constant 0 : i32
    %dma_start3A_43 = arith.constant 0 : i32
    %dma_start3A_44 = arith.constant 0 : i32
    %dma_start3A_45 = arith.constant 0 : i32
    %dma_start3A_46 = tpu.memref_slice %arg6[%dma_start3A, %dma_start3A_43, %dma_start3A_44, %dma_start3A_45] : memref<4x32x26x32xf32, #tpu.memory_space<vmem>> -> memref<1x32x26x32xf32, #tpu.memory_space<vmem>>
    %dma_start3A_47 = tpu.memref_squeeze %dma_start3A_46 : memref<1x32x26x32xf32, #tpu.memory_space<vmem>> -> memref<32x26x32xf32, #tpu.memory_space<vmem>>
    %dma_start3A_48 = arith.constant 0 : i32
    %dma_start3A_49 = arith.constant 0 : i32
    %dma_start3A_50 = tpu.memref_slice %arg4[%add3A_42, %dma_start3A_48, %dma_start3A_49] : memref<16384x26x32xf32, #tpu.memory_space<hbm>> -> memref<32x26x32xf32, #tpu.memory_space<hbm>>
    %dma_start3A_51 = arith.constant 0 : i32
    %dma_start3A_52 = arith.constant 0 : i32
    %dma_start3A_53 = tpu.memref_slice %arg4[%add3A_42, %dma_start3A_51, %dma_start3A_52] : memref<16384x26x32xf32, #tpu.memory_space<hbm>> -> memref<32x26x32xf32, #tpu.memory_space<hbm>>
    %dma_start3A_54 = arith.constant 0 : i32
    %dma_start3A_55 = arith.constant 0 : i32
    %dma_start3A_56 = arith.constant 0 : i32
    %dma_start3A_57 = tpu.memref_slice %arg6[%dma_start3A, %dma_start3A_54, %dma_start3A_55, %dma_start3A_56] : memref<4x32x26x32xf32, #tpu.memory_space<vmem>> -> memref<1x32x26x32xf32, #tpu.memory_space<vmem>>
    %dma_start3A_58 = tpu.memref_squeeze %dma_start3A_57 : memref<1x32x26x32xf32, #tpu.memory_space<vmem>> -> memref<32x26x32xf32, #tpu.memory_space<vmem>>
    tpu.enqueue_dma source(%dma_start3A_58 : memref<32x26x32xf32, #tpu.memory_space<vmem>>) target(%dma_start3A_53 : memref<32x26x32xf32, #tpu.memory_space<hbm>>) target_semaphore(%arg8 : memref<!tpu.dma_semaphore, #tpu.memory_space<semaphore_mem>>)
    %dma_wait3A_59 = arith.constant 1 : i32
    %dma_wait3A_60 = arith.constant 0 : i32
    %dma_wait3A_61 = arith.constant 0 : i32
    %dma_wait3A_62 = arith.constant 0 : i32
    %dma_wait3A_63 = tpu.memref_slice %arg6[%dma_wait3A_59, %dma_wait3A_60, %dma_wait3A_61, %dma_wait3A_62] : memref<4x32x26x32xf32, #tpu.memory_space<vmem>> -> memref<1x32x26x32xf32, #tpu.memory_space<vmem>>
    %dma_wait3A_64 = tpu.memref_squeeze %dma_wait3A_63 : memref<1x32x26x32xf32, #tpu.memory_space<vmem>> -> memref<32x26x32xf32, #tpu.memory_space<vmem>>
    %dma_wait3A_65 = arith.constant 0 : i32
    %dma_wait3A_66 = arith.constant 0 : i32
    %dma_wait3A_67 = arith.constant 0 : i32
    %dma_wait3A_68 = tpu.memref_slice %arg4[%dma_wait3A_65, %dma_wait3A_66, %dma_wait3A_67] : memref<16384x26x32xf32, #tpu.memory_space<hbm>> -> memref<32x26x32xf32, #tpu.memory_space<hbm>>
    %dma_wait3A_69 = arith.constant 0 : i32
    %dma_wait3A_70 = arith.constant 0 : i32
    %dma_wait3A_71 = arith.constant 0 : i32
    %dma_wait3A_72 = tpu.memref_slice %arg6[%dma_wait3A_59, %dma_wait3A_69, %dma_wait3A_70, %dma_wait3A_71] : memref<4x32x26x32xf32, #tpu.memory_space<vmem>> -> memref<1x32x26x32xf32, #tpu.memory_space<vmem>>
    %dma_wait3A_73 = tpu.memref_squeeze %dma_wait3A_72 : memref<1x32x26x32xf32, #tpu.memory_space<vmem>> -> memref<32x26x32xf32, #tpu.memory_space<vmem>>
    %dma_wait3A_74 = arith.constant 0 : i32
    %dma_wait3A_75 = arith.constant 0 : i32
    %dma_wait3A_76 = arith.constant 0 : i32
    %dma_wait3A_77 = tpu.memref_slice %arg4[%dma_wait3A_74, %dma_wait3A_75, %dma_wait3A_76] : memref<16384x26x32xf32, #tpu.memory_space<hbm>> -> memref<32x26x32xf32, #tpu.memory_space<hbm>>
    tpu.wait_dma2 semaphore(%arg7 : memref<!tpu.dma_semaphore, #tpu.memory_space<semaphore_mem>>) src(%dma_wait3A_77 : memref<32x26x32xf32, #tpu.memory_space<hbm>>) dst(%dma_wait3A_73 : memref<32x26x32xf32, #tpu.memory_space<vmem>>)
    %scan3A_78 = arith.constant 0 : i32
    %scan3A_79 = arith.constant 0 : i32
    %scan3A_80 = arith.constant 32 : i32
    %scan3A_81 = arith.addi %scan3A_79, %scan3A_80 : i32
    %scan3A_82 = arith.constant 1 : i32
    %scan3A_83 = scf.for %scan3A_992 = %scan3A_79 to %scan3A_81 step %scan3A_82 iter_args(%scan3A_993 = %scan3A_78) -> (i32)  : i32 {
      %add3A_994 = arith.constant 96 : i32
      %add3A_995 = arith.addi %add3A_994, %scan3A_992 : i32
      %dma_start3A_996 = arith.constant 3 : i32
      %dma_start3A_997 = arith.constant 0 : i32
      %dma_start3A_998 = arith.constant 0 : i32
      %dma_start3A_999 = tpu.memref_slice %arg6[%dma_start3A_996, %scan3A_992, %dma_start3A_997, %dma_start3A_998] : memref<4x32x26x32xf32, #tpu.memory_space<vmem>> -> memref<1x1x26x32xf32, #tpu.memory_space<vmem>>
      %dma_start3A_1000 = tpu.memref_squeeze %dma_start3A_999 : memref<1x1x26x32xf32, #tpu.memory_space<vmem>> -> memref<26x32xf32, #tpu.memory_space<vmem>>
      %dma_start3A_1001 = arith.constant 0 : i32
      %dma_start3A_1002 = tpu.memref_slice %arg5[%add3A_995, %dma_start3A_1001] : memref<512x26xi32, #tpu.memory_space<vmem>> -> memref<1x26xi32, #tpu.memory_space<vmem>>
      %dma_start3A_1003 = tpu.memref_squeeze %dma_start3A_1002 : memref<1x26xi32, #tpu.memory_space<vmem>> -> memref<26xi32, #tpu.memory_space<vmem>>
      %dma_start3A_1004 = arith.constant 0 : i32
      %dma_start3A_1005 = arith.constant 0 : i32
      %dma_start3A_1006 = tpu.memref_slice %arg2[%dma_start3A_1004, %dma_start3A_1005] : memref<1000000x32xf32, #tpu.memory_space<hbm>> -> memref<1000000x32xf32, #tpu.memory_space<hbm>>
      tpu.enqueue_indirect_dma source(%dma_start3A_1006 : memref<1000000x32xf32, #tpu.memory_space<hbm>>) target(%dma_start3A_1000 : memref<26x32xf32, #tpu.memory_space<vmem>>) offsets(%dma_start3A_1003 : memref<26xi32, #tpu.memory_space<vmem>>) semaphore(%arg7 : memref<!tpu.dma_semaphore, #tpu.memory_space<semaphore_mem>>)
      %scan3A_1007 = arith.constant 0 : i32
      scf.yield %scan3A_1007 : i32
    }
    %scan3A_84 = arith.constant 32 : i32
    %add3A_85 = arith.constant 32 : i32
    %add3A_86 = arith.addi %mul3A_2, %add3A_85 : i32
    %dma_start3A_87 = arith.constant 1 : i32
    %dma_start3A_88 = arith.constant 0 : i32
    %dma_start3A_89 = arith.constant 0 : i32
    %dma_start3A_90 = arith.constant 0 : i32
    %dma_start3A_91 = tpu.memref_slice %arg6[%dma_start3A_87, %dma_start3A_88, %dma_start3A_89, %dma_start3A_90] : memref<4x32x26x32xf32, #tpu.memory_space<vmem>> -> memref<1x32x26x32xf32, #tpu.memory_space<vmem>>
    %dma_start3A_92 = tpu.memref_squeeze %dma_start3A_91 : memref<1x32x26x32xf32, #tpu.memory_space<vmem>> -> memref<32x26x32xf32, #tpu.memory_space<vmem>>
    %dma_start3A_93 = arith.constant 0 : i32
    %dma_start3A_94 = arith.constant 0 : i32
    %dma_start3A_95 = tpu.memref_slice %arg4[%add3A_86, %dma_start3A_93, %dma_start3A_94] : memref<16384x26x32xf32, #tpu.memory_space<hbm>> -> memref<32x26x32xf32, #tpu.memory_space<hbm>>
    %dma_start3A_96 = arith.constant 0 : i32
    %dma_start3A_97 = arith.constant 0 : i32
    %dma_start3A_98 = tpu.memref_slice %arg4[%add3A_86, %dma_start3A_96, %dma_start3A_97] : memref<16384x26x32xf32, #tpu.memory_space<hbm>> -> memref<32x26x32xf32, #tpu.memory_space<hbm>>
    %dma_start3A_99 = arith.constant 0 : i32
    %dma_start3A_100 = arith.constant 0 : i32
    %dma_start3A_101 = arith.constant 0 : i32
    %dma_start3A_102 = tpu.memref_slice %arg6[%dma_start3A_87, %dma_start3A_99, %dma_start3A_100, %dma_start3A_101] : memref<4x32x26x32xf32, #tpu.memory_space<vmem>> -> memref<1x32x26x32xf32, #tpu.memory_space<vmem>>
    %dma_start3A_103 = tpu.memref_squeeze %dma_start3A_102 : memref<1x32x26x32xf32, #tpu.memory_space<vmem>> -> memref<32x26x32xf32, #tpu.memory_space<vmem>>
    tpu.enqueue_dma source(%dma_start3A_103 : memref<32x26x32xf32, #tpu.memory_space<vmem>>) target(%dma_start3A_98 : memref<32x26x32xf32, #tpu.memory_space<hbm>>) target_semaphore(%arg8 : memref<!tpu.dma_semaphore, #tpu.memory_space<semaphore_mem>>)
    %dma_wait3A_104 = arith.constant 2 : i32
    %dma_wait3A_105 = arith.constant 0 : i32
    %dma_wait3A_106 = arith.constant 0 : i32
    %dma_wait3A_107 = arith.constant 0 : i32
    %dma_wait3A_108 = tpu.memref_slice %arg6[%dma_wait3A_104, %dma_wait3A_105, %dma_wait3A_106, %dma_wait3A_107] : memref<4x32x26x32xf32, #tpu.memory_space<vmem>> -> memref<1x32x26x32xf32, #tpu.memory_space<vmem>>
    %dma_wait3A_109 = tpu.memref_squeeze %dma_wait3A_108 : memref<1x32x26x32xf32, #tpu.memory_space<vmem>> -> memref<32x26x32xf32, #tpu.memory_space<vmem>>
    %dma_wait3A_110 = arith.constant 0 : i32
    %dma_wait3A_111 = arith.constant 0 : i32
    %dma_wait3A_112 = arith.constant 0 : i32
    %dma_wait3A_113 = tpu.memref_slice %arg4[%dma_wait3A_110, %dma_wait3A_111, %dma_wait3A_112] : memref<16384x26x32xf32, #tpu.memory_space<hbm>> -> memref<32x26x32xf32, #tpu.memory_space<hbm>>
    %dma_wait3A_114 = arith.constant 0 : i32
    %dma_wait3A_115 = arith.constant 0 : i32
    %dma_wait3A_116 = arith.constant 0 : i32
    %dma_wait3A_117 = tpu.memref_slice %arg6[%dma_wait3A_104, %dma_wait3A_114, %dma_wait3A_115, %dma_wait3A_116] : memref<4x32x26x32xf32, #tpu.memory_space<vmem>> -> memref<1x32x26x32xf32, #tpu.memory_space<vmem>>
    %dma_wait3A_118 = tpu.memref_squeeze %dma_wait3A_117 : memref<1x32x26x32xf32, #tpu.memory_space<vmem>> -> memref<32x26x32xf32, #tpu.memory_space<vmem>>
    %dma_wait3A_119 = arith.constant 0 : i32
    %dma_wait3A_120 = arith.constant 0 : i32
    %dma_wait3A_121 = arith.constant 0 : i32
    %dma_wait3A_122 = tpu.memref_slice %arg4[%dma_wait3A_119, %dma_wait3A_120, %dma_wait3A_121] : memref<16384x26x32xf32, #tpu.memory_space<hbm>> -> memref<32x26x32xf32, #tpu.memory_space<hbm>>
    tpu.wait_dma2 semaphore(%arg7 : memref<!tpu.dma_semaphore, #tpu.memory_space<semaphore_mem>>) src(%dma_wait3A_122 : memref<32x26x32xf32, #tpu.memory_space<hbm>>) dst(%dma_wait3A_118 : memref<32x26x32xf32, #tpu.memory_space<vmem>>)
    %dma_wait3A_123 = arith.constant 0 : i32
    %dma_wait3A_124 = arith.constant 0 : i32
    %dma_wait3A_125 = arith.constant 0 : i32
    %dma_wait3A_126 = arith.constant 0 : i32
    %dma_wait3A_127 = tpu.memref_slice %arg6[%dma_wait3A_123, %dma_wait3A_124, %dma_wait3A_125, %dma_wait3A_126] : memref<4x32x26x32xf32, #tpu.memory_space<vmem>> -> memref<1x32x26x32xf32, #tpu.memory_space<vmem>>
    %dma_wait3A_128 = tpu.memref_squeeze %dma_wait3A_127 : memref<1x32x26x32xf32, #tpu.memory_space<vmem>> -> memref<32x26x32xf32, #tpu.memory_space<vmem>>
    %dma_wait3A_129 = arith.constant 0 : i32
    %dma_wait3A_130 = arith.constant 0 : i32
    %dma_wait3A_131 = tpu.memref_slice %arg4[%add3A_42, %dma_wait3A_129, %dma_wait3A_130] : memref<16384x26x32xf32, #tpu.memory_space<hbm>> -> memref<32x26x32xf32, #tpu.memory_space<hbm>>
    %dma_wait3A_132 = arith.constant 0 : i32
    %dma_wait3A_133 = arith.constant 0 : i32
    %dma_wait3A_134 = tpu.memref_slice %arg4[%add3A_42, %dma_wait3A_132, %dma_wait3A_133] : memref<16384x26x32xf32, #tpu.memory_space<hbm>> -> memref<32x26x32xf32, #tpu.memory_space<hbm>>
    %dma_wait3A_135 = arith.constant 0 : i32
    %dma_wait3A_136 = arith.constant 0 : i32
    %dma_wait3A_137 = arith.constant 0 : i32
    %dma_wait3A_138 = tpu.memref_slice %arg6[%dma_wait3A_123, %dma_wait3A_135, %dma_wait3A_136, %dma_wait3A_137] : memref<4x32x26x32xf32, #tpu.memory_space<vmem>> -> memref<1x32x26x32xf32, #tpu.memory_space<vmem>>
    %dma_wait3A_139 = tpu.memref_squeeze %dma_wait3A_138 : memref<1x32x26x32xf32, #tpu.memory_space<vmem>> -> memref<32x26x32xf32, #tpu.memory_space<vmem>>
    tpu.wait_dma2 semaphore(%arg8 : memref<!tpu.dma_semaphore, #tpu.memory_space<semaphore_mem>>) src(%dma_wait3A_139 : memref<32x26x32xf32, #tpu.memory_space<vmem>>) dst(%dma_wait3A_134 : memref<32x26x32xf32, #tpu.memory_space<hbm>>)
    %scan3A_140 = arith.constant 0 : i32
    %scan3A_141 = arith.constant 0 : i32
    %scan3A_142 = arith.constant 32 : i32
    %scan3A_143 = arith.addi %scan3A_141, %scan3A_142 : i32
    %scan3A_144 = arith.constant 1 : i32
    %scan3A_145 = scf.for %scan3A_992 = %scan3A_141 to %scan3A_143 step %scan3A_144 iter_args(%scan3A_993 = %scan3A_140) -> (i32)  : i32 {
      %add3A_994 = arith.constant 128 : i32
      %add3A_995 = arith.addi %add3A_994, %scan3A_992 : i32
      %dma_start3A_996 = arith.constant 0 : i32
      %dma_start3A_997 = arith.constant 0 : i32
      %dma_start3A_998 = arith.constant 0 : i32
      %dma_start3A_999 = tpu.memref_slice %arg6[%dma_start3A_996, %scan3A_992, %dma_start3A_997, %dma_start3A_998] : memref<4x32x26x32xf32, #tpu.memory_space<vmem>> -> memref<1x1x26x32xf32, #tpu.memory_space<vmem>>
      %dma_start3A_1000 = tpu.memref_squeeze %dma_start3A_999 : memref<1x1x26x32xf32, #tpu.memory_space<vmem>> -> memref<26x32xf32, #tpu.memory_space<vmem>>
      %dma_start3A_1001 = arith.constant 0 : i32
      %dma_start3A_1002 = tpu.memref_slice %arg5[%add3A_995, %dma_start3A_1001] : memref<512x26xi32, #tpu.memory_space<vmem>> -> memref<1x26xi32, #tpu.memory_space<vmem>>
      %dma_start3A_1003 = tpu.memref_squeeze %dma_start3A_1002 : memref<1x26xi32, #tpu.memory_space<vmem>> -> memref<26xi32, #tpu.memory_space<vmem>>
      %dma_start3A_1004 = arith.constant 0 : i32
      %dma_start3A_1005 = arith.constant 0 : i32
      %dma_start3A_1006 = tpu.memref_slice %arg2[%dma_start3A_1004, %dma_start3A_1005] : memref<1000000x32xf32, #tpu.memory_space<hbm>> -> memref<1000000x32xf32, #tpu.memory_space<hbm>>
      tpu.enqueue_indirect_dma source(%dma_start3A_1006 : memref<1000000x32xf32, #tpu.memory_space<hbm>>) target(%dma_start3A_1000 : memref<26x32xf32, #tpu.memory_space<vmem>>) offsets(%dma_start3A_1003 : memref<26xi32, #tpu.memory_space<vmem>>) semaphore(%arg7 : memref<!tpu.dma_semaphore, #tpu.memory_space<semaphore_mem>>)
      %scan3A_1007 = arith.constant 0 : i32
      scf.yield %scan3A_1007 : i32
    }
    %scan3A_146 = arith.constant 32 : i32
    %add3A_147 = arith.constant 64 : i32
    %add3A_148 = arith.addi %mul3A_2, %add3A_147 : i32
    %dma_start3A_149 = arith.constant 2 : i32
    %dma_start3A_150 = arith.constant 0 : i32
    %dma_start3A_151 = arith.constant 0 : i32
    %dma_start3A_152 = arith.constant 0 : i32
    %dma_start3A_153 = tpu.memref_slice %arg6[%dma_start3A_149, %dma_start3A_150, %dma_start3A_151, %dma_start3A_152] : memref<4x32x26x32xf32, #tpu.memory_space<vmem>> -> memref<1x32x26x32xf32, #tpu.memory_space<vmem>>
    %dma_start3A_154 = tpu.memref_squeeze %dma_start3A_153 : memref<1x32x26x32xf32, #tpu.memory_space<vmem>> -> memref<32x26x32xf32, #tpu.memory_space<vmem>>
    %dma_start3A_155 = arith.constant 0 : i32
    %dma_start3A_156 = arith.constant 0 : i32
    %dma_start3A_157 = tpu.memref_slice %arg4[%add3A_148, %dma_start3A_155, %dma_start3A_156] : memref<16384x26x32xf32, #tpu.memory_space<hbm>> -> memref<32x26x32xf32, #tpu.memory_space<hbm>>
    %dma_start3A_158 = arith.constant 0 : i32
    %dma_start3A_159 = arith.constant 0 : i32
    %dma_start3A_160 = tpu.memref_slice %arg4[%add3A_148, %dma_start3A_158, %dma_start3A_159] : memref<16384x26x32xf32, #tpu.memory_space<hbm>> -> memref<32x26x32xf32, #tpu.memory_space<hbm>>
    %dma_start3A_161 = arith.constant 0 : i32
    %dma_start3A_162 = arith.constant 0 : i32
    %dma_start3A_163 = arith.constant 0 : i32
    %dma_start3A_164 = tpu.memref_slice %arg6[%dma_start3A_149, %dma_start3A_161, %dma_start3A_162, %dma_start3A_163] : memref<4x32x26x32xf32, #tpu.memory_space<vmem>> -> memref<1x32x26x32xf32, #tpu.memory_space<vmem>>
    %dma_start3A_165 = tpu.memref_squeeze %dma_start3A_164 : memref<1x32x26x32xf32, #tpu.memory_space<vmem>> -> memref<32x26x32xf32, #tpu.memory_space<vmem>>
    tpu.enqueue_dma source(%dma_start3A_165 : memref<32x26x32xf32, #tpu.memory_space<vmem>>) target(%dma_start3A_160 : memref<32x26x32xf32, #tpu.memory_space<hbm>>) target_semaphore(%arg8 : memref<!tpu.dma_semaphore, #tpu.memory_space<semaphore_mem>>)
    %dma_wait3A_166 = arith.constant 3 : i32
    %dma_wait3A_167 = arith.constant 0 : i32
    %dma_wait3A_168 = arith.constant 0 : i32
    %dma_wait3A_169 = arith.constant 0 : i32
    %dma_wait3A_170 = tpu.memref_slice %arg6[%dma_wait3A_166, %dma_wait3A_167, %dma_wait3A_168, %dma_wait3A_169] : memref<4x32x26x32xf32, #tpu.memory_space<vmem>> -> memref<1x32x26x32xf32, #tpu.memory_space<vmem>>
    %dma_wait3A_171 = tpu.memref_squeeze %dma_wait3A_170 : memref<1x32x26x32xf32, #tpu.memory_space<vmem>> -> memref<32x26x32xf32, #tpu.memory_space<vmem>>
    %dma_wait3A_172 = arith.constant 0 : i32
    %dma_wait3A_173 = arith.constant 0 : i32
    %dma_wait3A_174 = arith.constant 0 : i32
    %dma_wait3A_175 = tpu.memref_slice %arg4[%dma_wait3A_172, %dma_wait3A_173, %dma_wait3A_174] : memref<16384x26x32xf32, #tpu.memory_space<hbm>> -> memref<32x26x32xf32, #tpu.memory_space<hbm>>
    %dma_wait3A_176 = arith.constant 0 : i32
    %dma_wait3A_177 = arith.constant 0 : i32
    %dma_wait3A_178 = arith.constant 0 : i32
    %dma_wait3A_179 = tpu.memref_slice %arg6[%dma_wait3A_166, %dma_wait3A_176, %dma_wait3A_177, %dma_wait3A_178] : memref<4x32x26x32xf32, #tpu.memory_space<vmem>> -> memref<1x32x26x32xf32, #tpu.memory_space<vmem>>
    %dma_wait3A_180 = tpu.memref_squeeze %dma_wait3A_179 : memref<1x32x26x32xf32, #tpu.memory_space<vmem>> -> memref<32x26x32xf32, #tpu.memory_space<vmem>>
    %dma_wait3A_181 = arith.constant 0 : i32
    %dma_wait3A_182 = arith.constant 0 : i32
    %dma_wait3A_183 = arith.constant 0 : i32
    %dma_wait3A_184 = tpu.memref_slice %arg4[%dma_wait3A_181, %dma_wait3A_182, %dma_wait3A_183] : memref<16384x26x32xf32, #tpu.memory_space<hbm>> -> memref<32x26x32xf32, #tpu.memory_space<hbm>>
    tpu.wait_dma2 semaphore(%arg7 : memref<!tpu.dma_semaphore, #tpu.memory_space<semaphore_mem>>) src(%dma_wait3A_184 : memref<32x26x32xf32, #tpu.memory_space<hbm>>) dst(%dma_wait3A_180 : memref<32x26x32xf32, #tpu.memory_space<vmem>>)
    %dma_wait3A_185 = arith.constant 1 : i32
    %dma_wait3A_186 = arith.constant 0 : i32
    %dma_wait3A_187 = arith.constant 0 : i32
    %dma_wait3A_188 = arith.constant 0 : i32
    %dma_wait3A_189 = tpu.memref_slice %arg6[%dma_wait3A_185, %dma_wait3A_186, %dma_wait3A_187, %dma_wait3A_188] : memref<4x32x26x32xf32, #tpu.memory_space<vmem>> -> memref<1x32x26x32xf32, #tpu.memory_space<vmem>>
    %dma_wait3A_190 = tpu.memref_squeeze %dma_wait3A_189 : memref<1x32x26x32xf32, #tpu.memory_space<vmem>> -> memref<32x26x32xf32, #tpu.memory_space<vmem>>
    %dma_wait3A_191 = arith.constant 0 : i32
    %dma_wait3A_192 = arith.constant 0 : i32
    %dma_wait3A_193 = tpu.memref_slice %arg4[%add3A_86, %dma_wait3A_191, %dma_wait3A_192] : memref<16384x26x32xf32, #tpu.memory_space<hbm>> -> memref<32x26x32xf32, #tpu.memory_space<hbm>>
    %dma_wait3A_194 = arith.constant 0 : i32
    %dma_wait3A_195 = arith.constant 0 : i32
    %dma_wait3A_196 = tpu.memref_slice %arg4[%add3A_86, %dma_wait3A_194, %dma_wait3A_195] : memref<16384x26x32xf32, #tpu.memory_space<hbm>> -> memref<32x26x32xf32, #tpu.memory_space<hbm>>
    %dma_wait3A_197 = arith.constant 0 : i32
    %dma_wait3A_198 = arith.constant 0 : i32
    %dma_wait3A_199 = arith.constant 0 : i32
    %dma_wait3A_200 = tpu.memref_slice %arg6[%dma_wait3A_185, %dma_wait3A_197, %dma_wait3A_198, %dma_wait3A_199] : memref<4x32x26x32xf32, #tpu.memory_space<vmem>> -> memref<1x32x26x32xf32, #tpu.memory_space<vmem>>
    %dma_wait3A_201 = tpu.memref_squeeze %dma_wait3A_200 : memref<1x32x26x32xf32, #tpu.memory_space<vmem>> -> memref<32x26x32xf32, #tpu.memory_space<vmem>>
    tpu.wait_dma2 semaphore(%arg8 : memref<!tpu.dma_semaphore, #tpu.memory_space<semaphore_mem>>) src(%dma_wait3A_201 : memref<32x26x32xf32, #tpu.memory_space<vmem>>) dst(%dma_wait3A_196 : memref<32x26x32xf32, #tpu.memory_space<hbm>>)
    %scan3A_202 = arith.constant 0 : i32
    %scan3A_203 = arith.constant 0 : i32
    %scan3A_204 = arith.constant 32 : i32
    %scan3A_205 = arith.addi %scan3A_203, %scan3A_204 : i32
    %scan3A_206 = arith.constant 1 : i32
    %scan3A_207 = scf.for %scan3A_992 = %scan3A_203 to %scan3A_205 step %scan3A_206 iter_args(%scan3A_993 = %scan3A_202) -> (i32)  : i32 {
      %add3A_994 = arith.constant 160 : i32
      %add3A_995 = arith.addi %add3A_994, %scan3A_992 : i32
      %dma_start3A_996 = arith.constant 1 : i32
      %dma_start3A_997 = arith.constant 0 : i32
      %dma_start3A_998 = arith.constant 0 : i32
      %dma_start3A_999 = tpu.memref_slice %arg6[%dma_start3A_996, %scan3A_992, %dma_start3A_997, %dma_start3A_998] : memref<4x32x26x32xf32, #tpu.memory_space<vmem>> -> memref<1x1x26x32xf32, #tpu.memory_space<vmem>>
      %dma_start3A_1000 = tpu.memref_squeeze %dma_start3A_999 : memref<1x1x26x32xf32, #tpu.memory_space<vmem>> -> memref<26x32xf32, #tpu.memory_space<vmem>>
      %dma_start3A_1001 = arith.constant 0 : i32
      %dma_start3A_1002 = tpu.memref_slice %arg5[%add3A_995, %dma_start3A_1001] : memref<512x26xi32, #tpu.memory_space<vmem>> -> memref<1x26xi32, #tpu.memory_space<vmem>>
      %dma_start3A_1003 = tpu.memref_squeeze %dma_start3A_1002 : memref<1x26xi32, #tpu.memory_space<vmem>> -> memref<26xi32, #tpu.memory_space<vmem>>
      %dma_start3A_1004 = arith.constant 0 : i32
      %dma_start3A_1005 = arith.constant 0 : i32
      %dma_start3A_1006 = tpu.memref_slice %arg2[%dma_start3A_1004, %dma_start3A_1005] : memref<1000000x32xf32, #tpu.memory_space<hbm>> -> memref<1000000x32xf32, #tpu.memory_space<hbm>>
      tpu.enqueue_indirect_dma source(%dma_start3A_1006 : memref<1000000x32xf32, #tpu.memory_space<hbm>>) target(%dma_start3A_1000 : memref<26x32xf32, #tpu.memory_space<vmem>>) offsets(%dma_start3A_1003 : memref<26xi32, #tpu.memory_space<vmem>>) semaphore(%arg7 : memref<!tpu.dma_semaphore, #tpu.memory_space<semaphore_mem>>)
      %scan3A_1007 = arith.constant 0 : i32
      scf.yield %scan3A_1007 : i32
    }
    %scan3A_208 = arith.constant 32 : i32
    %add3A_209 = arith.constant 96 : i32
    %add3A_210 = arith.addi %mul3A_2, %add3A_209 : i32
    %dma_start3A_211 = arith.constant 3 : i32
    %dma_start3A_212 = arith.constant 0 : i32
    %dma_start3A_213 = arith.constant 0 : i32
    %dma_start3A_214 = arith.constant 0 : i32
    %dma_start3A_215 = tpu.memref_slice %arg6[%dma_start3A_211, %dma_start3A_212, %dma_start3A_213, %dma_start3A_214] : memref<4x32x26x32xf32, #tpu.memory_space<vmem>> -> memref<1x32x26x32xf32, #tpu.memory_space<vmem>>
    %dma_start3A_216 = tpu.memref_squeeze %dma_start3A_215 : memref<1x32x26x32xf32, #tpu.memory_space<vmem>> -> memref<32x26x32xf32, #tpu.memory_space<vmem>>
    %dma_start3A_217 = arith.constant 0 : i32
    %dma_start3A_218 = arith.constant 0 : i32
    %dma_start3A_219 = tpu.memref_slice %arg4[%add3A_210, %dma_start3A_217, %dma_start3A_218] : memref<16384x26x32xf32, #tpu.memory_space<hbm>> -> memref<32x26x32xf32, #tpu.memory_space<hbm>>
    %dma_start3A_220 = arith.constant 0 : i32
    %dma_start3A_221 = arith.constant 0 : i32
    %dma_start3A_222 = tpu.memref_slice %arg4[%add3A_210, %dma_start3A_220, %dma_start3A_221] : memref<16384x26x32xf32, #tpu.memory_space<hbm>> -> memref<32x26x32xf32, #tpu.memory_space<hbm>>
    %dma_start3A_223 = arith.constant 0 : i32
    %dma_start3A_224 = arith.constant 0 : i32
    %dma_start3A_225 = arith.constant 0 : i32
    %dma_start3A_226 = tpu.memref_slice %arg6[%dma_start3A_211, %dma_start3A_223, %dma_start3A_224, %dma_start3A_225] : memref<4x32x26x32xf32, #tpu.memory_space<vmem>> -> memref<1x32x26x32xf32, #tpu.memory_space<vmem>>
    %dma_start3A_227 = tpu.memref_squeeze %dma_start3A_226 : memref<1x32x26x32xf32, #tpu.memory_space<vmem>> -> memref<32x26x32xf32, #tpu.memory_space<vmem>>
    tpu.enqueue_dma source(%dma_start3A_227 : memref<32x26x32xf32, #tpu.memory_space<vmem>>) target(%dma_start3A_222 : memref<32x26x32xf32, #tpu.memory_space<hbm>>) target_semaphore(%arg8 : memref<!tpu.dma_semaphore, #tpu.memory_space<semaphore_mem>>)
    %dma_wait3A_228 = arith.constant 0 : i32
    %dma_wait3A_229 = arith.constant 0 : i32
    %dma_wait3A_230 = arith.constant 0 : i32
    %dma_wait3A_231 = arith.constant 0 : i32
    %dma_wait3A_232 = tpu.memref_slice %arg6[%dma_wait3A_228, %dma_wait3A_229, %dma_wait3A_230, %dma_wait3A_231] : memref<4x32x26x32xf32, #tpu.memory_space<vmem>> -> memref<1x32x26x32xf32, #tpu.memory_space<vmem>>
    %dma_wait3A_233 = tpu.memref_squeeze %dma_wait3A_232 : memref<1x32x26x32xf32, #tpu.memory_space<vmem>> -> memref<32x26x32xf32, #tpu.memory_space<vmem>>
    %dma_wait3A_234 = arith.constant 0 : i32
    %dma_wait3A_235 = arith.constant 0 : i32
    %dma_wait3A_236 = arith.constant 0 : i32
    %dma_wait3A_237 = tpu.memref_slice %arg4[%dma_wait3A_234, %dma_wait3A_235, %dma_wait3A_236] : memref<16384x26x32xf32, #tpu.memory_space<hbm>> -> memref<32x26x32xf32, #tpu.memory_space<hbm>>
    %dma_wait3A_238 = arith.constant 0 : i32
    %dma_wait3A_239 = arith.constant 0 : i32
    %dma_wait3A_240 = arith.constant 0 : i32
    %dma_wait3A_241 = tpu.memref_slice %arg6[%dma_wait3A_228, %dma_wait3A_238, %dma_wait3A_239, %dma_wait3A_240] : memref<4x32x26x32xf32, #tpu.memory_space<vmem>> -> memref<1x32x26x32xf32, #tpu.memory_space<vmem>>
    %dma_wait3A_242 = tpu.memref_squeeze %dma_wait3A_241 : memref<1x32x26x32xf32, #tpu.memory_space<vmem>> -> memref<32x26x32xf32, #tpu.memory_space<vmem>>
    %dma_wait3A_243 = arith.constant 0 : i32
    %dma_wait3A_244 = arith.constant 0 : i32
    %dma_wait3A_245 = arith.constant 0 : i32
    %dma_wait3A_246 = tpu.memref_slice %arg4[%dma_wait3A_243, %dma_wait3A_244, %dma_wait3A_245] : memref<16384x26x32xf32, #tpu.memory_space<hbm>> -> memref<32x26x32xf32, #tpu.memory_space<hbm>>
    tpu.wait_dma2 semaphore(%arg7 : memref<!tpu.dma_semaphore, #tpu.memory_space<semaphore_mem>>) src(%dma_wait3A_246 : memref<32x26x32xf32, #tpu.memory_space<hbm>>) dst(%dma_wait3A_242 : memref<32x26x32xf32, #tpu.memory_space<vmem>>)
    %dma_wait3A_247 = arith.constant 2 : i32
    %dma_wait3A_248 = arith.constant 0 : i32
    %dma_wait3A_249 = arith.constant 0 : i32
    %dma_wait3A_250 = arith.constant 0 : i32
    %dma_wait3A_251 = tpu.memref_slice %arg6[%dma_wait3A_247, %dma_wait3A_248, %dma_wait3A_249, %dma_wait3A_250] : memref<4x32x26x32xf32, #tpu.memory_space<vmem>> -> memref<1x32x26x32xf32, #tpu.memory_space<vmem>>
    %dma_wait3A_252 = tpu.memref_squeeze %dma_wait3A_251 : memref<1x32x26x32xf32, #tpu.memory_space<vmem>> -> memref<32x26x32xf32, #tpu.memory_space<vmem>>
    %dma_wait3A_253 = arith.constant 0 : i32
    %dma_wait3A_254 = arith.constant 0 : i32
    %dma_wait3A_255 = tpu.memref_slice %arg4[%add3A_148, %dma_wait3A_253, %dma_wait3A_254] : memref<16384x26x32xf32, #tpu.memory_space<hbm>> -> memref<32x26x32xf32, #tpu.memory_space<hbm>>
    %dma_wait3A_256 = arith.constant 0 : i32
    %dma_wait3A_257 = arith.constant 0 : i32
    %dma_wait3A_258 = tpu.memref_slice %arg4[%add3A_148, %dma_wait3A_256, %dma_wait3A_257] : memref<16384x26x32xf32, #tpu.memory_space<hbm>> -> memref<32x26x32xf32, #tpu.memory_space<hbm>>
    %dma_wait3A_259 = arith.constant 0 : i32
    %dma_wait3A_260 = arith.constant 0 : i32
    %dma_wait3A_261 = arith.constant 0 : i32
    %dma_wait3A_262 = tpu.memref_slice %arg6[%dma_wait3A_247, %dma_wait3A_259, %dma_wait3A_260, %dma_wait3A_261] : memref<4x32x26x32xf32, #tpu.memory_space<vmem>> -> memref<1x32x26x32xf32, #tpu.memory_space<vmem>>
    %dma_wait3A_263 = tpu.memref_squeeze %dma_wait3A_262 : memref<1x32x26x32xf32, #tpu.memory_space<vmem>> -> memref<32x26x32xf32, #tpu.memory_space<vmem>>
    tpu.wait_dma2 semaphore(%arg8 : memref<!tpu.dma_semaphore, #tpu.memory_space<semaphore_mem>>) src(%dma_wait3A_263 : memref<32x26x32xf32, #tpu.memory_space<vmem>>) dst(%dma_wait3A_258 : memref<32x26x32xf32, #tpu.memory_space<hbm>>)
    %scan3A_264 = arith.constant 0 : i32
    %scan3A_265 = arith.constant 0 : i32
    %scan3A_266 = arith.constant 32 : i32
    %scan3A_267 = arith.addi %scan3A_265, %scan3A_266 : i32
    %scan3A_268 = arith.constant 1 : i32
    %scan3A_269 = scf.for %scan3A_992 = %scan3A_265 to %scan3A_267 step %scan3A_268 iter_args(%scan3A_993 = %scan3A_264) -> (i32)  : i32 {
      %add3A_994 = arith.constant 192 : i32
      %add3A_995 = arith.addi %add3A_994, %scan3A_992 : i32
      %dma_start3A_996 = arith.constant 2 : i32
      %dma_start3A_997 = arith.constant 0 : i32
      %dma_start3A_998 = arith.constant 0 : i32
      %dma_start3A_999 = tpu.memref_slice %arg6[%dma_start3A_996, %scan3A_992, %dma_start3A_997, %dma_start3A_998] : memref<4x32x26x32xf32, #tpu.memory_space<vmem>> -> memref<1x1x26x32xf32, #tpu.memory_space<vmem>>
      %dma_start3A_1000 = tpu.memref_squeeze %dma_start3A_999 : memref<1x1x26x32xf32, #tpu.memory_space<vmem>> -> memref<26x32xf32, #tpu.memory_space<vmem>>
      %dma_start3A_1001 = arith.constant 0 : i32
      %dma_start3A_1002 = tpu.memref_slice %arg5[%add3A_995, %dma_start3A_1001] : memref<512x26xi32, #tpu.memory_space<vmem>> -> memref<1x26xi32, #tpu.memory_space<vmem>>
      %dma_start3A_1003 = tpu.memref_squeeze %dma_start3A_1002 : memref<1x26xi32, #tpu.memory_space<vmem>> -> memref<26xi32, #tpu.memory_space<vmem>>
      %dma_start3A_1004 = arith.constant 0 : i32
      %dma_start3A_1005 = arith.constant 0 : i32
      %dma_start3A_1006 = tpu.memref_slice %arg2[%dma_start3A_1004, %dma_start3A_1005] : memref<1000000x32xf32, #tpu.memory_space<hbm>> -> memref<1000000x32xf32, #tpu.memory_space<hbm>>
      tpu.enqueue_indirect_dma source(%dma_start3A_1006 : memref<1000000x32xf32, #tpu.memory_space<hbm>>) target(%dma_start3A_1000 : memref<26x32xf32, #tpu.memory_space<vmem>>) offsets(%dma_start3A_1003 : memref<26xi32, #tpu.memory_space<vmem>>) semaphore(%arg7 : memref<!tpu.dma_semaphore, #tpu.memory_space<semaphore_mem>>)
      %scan3A_1007 = arith.constant 0 : i32
      scf.yield %scan3A_1007 : i32
    }
    %scan3A_270 = arith.constant 32 : i32
    %add3A_271 = arith.constant 128 : i32
    %add3A_272 = arith.addi %mul3A_2, %add3A_271 : i32
    %dma_start3A_273 = arith.constant 0 : i32
    %dma_start3A_274 = arith.constant 0 : i32
    %dma_start3A_275 = arith.constant 0 : i32
    %dma_start3A_276 = arith.constant 0 : i32
    %dma_start3A_277 = tpu.memref_slice %arg6[%dma_start3A_273, %dma_start3A_274, %dma_start3A_275, %dma_start3A_276] : memref<4x32x26x32xf32, #tpu.memory_space<vmem>> -> memref<1x32x26x32xf32, #tpu.memory_space<vmem>>
    %dma_start3A_278 = tpu.memref_squeeze %dma_start3A_277 : memref<1x32x26x32xf32, #tpu.memory_space<vmem>> -> memref<32x26x32xf32, #tpu.memory_space<vmem>>
    %dma_start3A_279 = arith.constant 0 : i32
    %dma_start3A_280 = arith.constant 0 : i32
    %dma_start3A_281 = tpu.memref_slice %arg4[%add3A_272, %dma_start3A_279, %dma_start3A_280] : memref<16384x26x32xf32, #tpu.memory_space<hbm>> -> memref<32x26x32xf32, #tpu.memory_space<hbm>>
    %dma_start3A_282 = arith.constant 0 : i32
    %dma_start3A_283 = arith.constant 0 : i32
    %dma_start3A_284 = tpu.memref_slice %arg4[%add3A_272, %dma_start3A_282, %dma_start3A_283] : memref<16384x26x32xf32, #tpu.memory_space<hbm>> -> memref<32x26x32xf32, #tpu.memory_space<hbm>>
    %dma_start3A_285 = arith.constant 0 : i32
    %dma_start3A_286 = arith.constant 0 : i32
    %dma_start3A_287 = arith.constant 0 : i32
    %dma_start3A_288 = tpu.memref_slice %arg6[%dma_start3A_273, %dma_start3A_285, %dma_start3A_286, %dma_start3A_287] : memref<4x32x26x32xf32, #tpu.memory_space<vmem>> -> memref<1x32x26x32xf32, #tpu.memory_space<vmem>>
    %dma_start3A_289 = tpu.memref_squeeze %dma_start3A_288 : memref<1x32x26x32xf32, #tpu.memory_space<vmem>> -> memref<32x26x32xf32, #tpu.memory_space<vmem>>
    tpu.enqueue_dma source(%dma_start3A_289 : memref<32x26x32xf32, #tpu.memory_space<vmem>>) target(%dma_start3A_284 : memref<32x26x32xf32, #tpu.memory_space<hbm>>) target_semaphore(%arg8 : memref<!tpu.dma_semaphore, #tpu.memory_space<semaphore_mem>>)
    %dma_wait3A_290 = arith.constant 1 : i32
    %dma_wait3A_291 = arith.constant 0 : i32
    %dma_wait3A_292 = arith.constant 0 : i32
    %dma_wait3A_293 = arith.constant 0 : i32
    %dma_wait3A_294 = tpu.memref_slice %arg6[%dma_wait3A_290, %dma_wait3A_291, %dma_wait3A_292, %dma_wait3A_293] : memref<4x32x26x32xf32, #tpu.memory_space<vmem>> -> memref<1x32x26x32xf32, #tpu.memory_space<vmem>>
    %dma_wait3A_295 = tpu.memref_squeeze %dma_wait3A_294 : memref<1x32x26x32xf32, #tpu.memory_space<vmem>> -> memref<32x26x32xf32, #tpu.memory_space<vmem>>
    %dma_wait3A_296 = arith.constant 0 : i32
    %dma_wait3A_297 = arith.constant 0 : i32
    %dma_wait3A_298 = arith.constant 0 : i32
    %dma_wait3A_299 = tpu.memref_slice %arg4[%dma_wait3A_296, %dma_wait3A_297, %dma_wait3A_298] : memref<16384x26x32xf32, #tpu.memory_space<hbm>> -> memref<32x26x32xf32, #tpu.memory_space<hbm>>
    %dma_wait3A_300 = arith.constant 0 : i32
    %dma_wait3A_301 = arith.constant 0 : i32
    %dma_wait3A_302 = arith.constant 0 : i32
    %dma_wait3A_303 = tpu.memref_slice %arg6[%dma_wait3A_290, %dma_wait3A_300, %dma_wait3A_301, %dma_wait3A_302] : memref<4x32x26x32xf32, #tpu.memory_space<vmem>> -> memref<1x32x26x32xf32, #tpu.memory_space<vmem>>
    %dma_wait3A_304 = tpu.memref_squeeze %dma_wait3A_303 : memref<1x32x26x32xf32, #tpu.memory_space<vmem>> -> memref<32x26x32xf32, #tpu.memory_space<vmem>>
    %dma_wait3A_305 = arith.constant 0 : i32
    %dma_wait3A_306 = arith.constant 0 : i32
    %dma_wait3A_307 = arith.constant 0 : i32
    %dma_wait3A_308 = tpu.memref_slice %arg4[%dma_wait3A_305, %dma_wait3A_306, %dma_wait3A_307] : memref<16384x26x32xf32, #tpu.memory_space<hbm>> -> memref<32x26x32xf32, #tpu.memory_space<hbm>>
    tpu.wait_dma2 semaphore(%arg7 : memref<!tpu.dma_semaphore, #tpu.memory_space<semaphore_mem>>) src(%dma_wait3A_308 : memref<32x26x32xf32, #tpu.memory_space<hbm>>) dst(%dma_wait3A_304 : memref<32x26x32xf32, #tpu.memory_space<vmem>>)
    %dma_wait3A_309 = arith.constant 3 : i32
    %dma_wait3A_310 = arith.constant 0 : i32
    %dma_wait3A_311 = arith.constant 0 : i32
    %dma_wait3A_312 = arith.constant 0 : i32
    %dma_wait3A_313 = tpu.memref_slice %arg6[%dma_wait3A_309, %dma_wait3A_310, %dma_wait3A_311, %dma_wait3A_312] : memref<4x32x26x32xf32, #tpu.memory_space<vmem>> -> memref<1x32x26x32xf32, #tpu.memory_space<vmem>>
    %dma_wait3A_314 = tpu.memref_squeeze %dma_wait3A_313 : memref<1x32x26x32xf32, #tpu.memory_space<vmem>> -> memref<32x26x32xf32, #tpu.memory_space<vmem>>
    %dma_wait3A_315 = arith.constant 0 : i32
    %dma_wait3A_316 = arith.constant 0 : i32
    %dma_wait3A_317 = tpu.memref_slice %arg4[%add3A_210, %dma_wait3A_315, %dma_wait3A_316] : memref<16384x26x32xf32, #tpu.memory_space<hbm>> -> memref<32x26x32xf32, #tpu.memory_space<hbm>>
    %dma_wait3A_318 = arith.constant 0 : i32
    %dma_wait3A_319 = arith.constant 0 : i32
    %dma_wait3A_320 = tpu.memref_slice %arg4[%add3A_210, %dma_wait3A_318, %dma_wait3A_319] : memref<16384x26x32xf32, #tpu.memory_space<hbm>> -> memref<32x26x32xf32, #tpu.memory_space<hbm>>
    %dma_wait3A_321 = arith.constant 0 : i32
    %dma_wait3A_322 = arith.constant 0 : i32
    %dma_wait3A_323 = arith.constant 0 : i32
    %dma_wait3A_324 = tpu.memref_slice %arg6[%dma_wait3A_309, %dma_wait3A_321, %dma_wait3A_322, %dma_wait3A_323] : memref<4x32x26x32xf32, #tpu.memory_space<vmem>> -> memref<1x32x26x32xf32, #tpu.memory_space<vmem>>
    %dma_wait3A_325 = tpu.memref_squeeze %dma_wait3A_324 : memref<1x32x26x32xf32, #tpu.memory_space<vmem>> -> memref<32x26x32xf32, #tpu.memory_space<vmem>>
    tpu.wait_dma2 semaphore(%arg8 : memref<!tpu.dma_semaphore, #tpu.memory_space<semaphore_mem>>) src(%dma_wait3A_325 : memref<32x26x32xf32, #tpu.memory_space<vmem>>) dst(%dma_wait3A_320 : memref<32x26x32xf32, #tpu.memory_space<hbm>>)
    %scan3A_326 = arith.constant 0 : i32
    %scan3A_327 = arith.constant 0 : i32
    %scan3A_328 = arith.constant 32 : i32
    %scan3A_329 = arith.addi %scan3A_327, %scan3A_328 : i32
    %scan3A_330 = arith.constant 1 : i32
    %scan3A_331 = scf.for %scan3A_992 = %scan3A_327 to %scan3A_329 step %scan3A_330 iter_args(%scan3A_993 = %scan3A_326) -> (i32)  : i32 {
      %add3A_994 = arith.constant 224 : i32
      %add3A_995 = arith.addi %add3A_994, %scan3A_992 : i32
      %dma_start3A_996 = arith.constant 3 : i32
      %dma_start3A_997 = arith.constant 0 : i32
      %dma_start3A_998 = arith.constant 0 : i32
      %dma_start3A_999 = tpu.memref_slice %arg6[%dma_start3A_996, %scan3A_992, %dma_start3A_997, %dma_start3A_998] : memref<4x32x26x32xf32, #tpu.memory_space<vmem>> -> memref<1x1x26x32xf32, #tpu.memory_space<vmem>>
      %dma_start3A_1000 = tpu.memref_squeeze %dma_start3A_999 : memref<1x1x26x32xf32, #tpu.memory_space<vmem>> -> memref<26x32xf32, #tpu.memory_space<vmem>>
      %dma_start3A_1001 = arith.constant 0 : i32
      %dma_start3A_1002 = tpu.memref_slice %arg5[%add3A_995, %dma_start3A_1001] : memref<512x26xi32, #tpu.memory_space<vmem>> -> memref<1x26xi32, #tpu.memory_space<vmem>>
      %dma_start3A_1003 = tpu.memref_squeeze %dma_start3A_1002 : memref<1x26xi32, #tpu.memory_space<vmem>> -> memref<26xi32, #tpu.memory_space<vmem>>
      %dma_start3A_1004 = arith.constant 0 : i32
      %dma_start3A_1005 = arith.constant 0 : i32
      %dma_start3A_1006 = tpu.memref_slice %arg2[%dma_start3A_1004, %dma_start3A_1005] : memref<1000000x32xf32, #tpu.memory_space<hbm>> -> memref<1000000x32xf32, #tpu.memory_space<hbm>>
      tpu.enqueue_indirect_dma source(%dma_start3A_1006 : memref<1000000x32xf32, #tpu.memory_space<hbm>>) target(%dma_start3A_1000 : memref<26x32xf32, #tpu.memory_space<vmem>>) offsets(%dma_start3A_1003 : memref<26xi32, #tpu.memory_space<vmem>>) semaphore(%arg7 : memref<!tpu.dma_semaphore, #tpu.memory_space<semaphore_mem>>)
      %scan3A_1007 = arith.constant 0 : i32
      scf.yield %scan3A_1007 : i32
    }
    %scan3A_332 = arith.constant 32 : i32
    %add3A_333 = arith.constant 160 : i32
    %add3A_334 = arith.addi %mul3A_2, %add3A_333 : i32
    %dma_start3A_335 = arith.constant 1 : i32
    %dma_start3A_336 = arith.constant 0 : i32
    %dma_start3A_337 = arith.constant 0 : i32
    %dma_start3A_338 = arith.constant 0 : i32
    %dma_start3A_339 = tpu.memref_slice %arg6[%dma_start3A_335, %dma_start3A_336, %dma_start3A_337, %dma_start3A_338] : memref<4x32x26x32xf32, #tpu.memory_space<vmem>> -> memref<1x32x26x32xf32, #tpu.memory_space<vmem>>
    %dma_start3A_340 = tpu.memref_squeeze %dma_start3A_339 : memref<1x32x26x32xf32, #tpu.memory_space<vmem>> -> memref<32x26x32xf32, #tpu.memory_space<vmem>>
    %dma_start3A_341 = arith.constant 0 : i32
    %dma_start3A_342 = arith.constant 0 : i32
    %dma_start3A_343 = tpu.memref_slice %arg4[%add3A_334, %dma_start3A_341, %dma_start3A_342] : memref<16384x26x32xf32, #tpu.memory_space<hbm>> -> memref<32x26x32xf32, #tpu.memory_space<hbm>>
    %dma_start3A_344 = arith.constant 0 : i32
    %dma_start3A_345 = arith.constant 0 : i32
    %dma_start3A_346 = tpu.memref_slice %arg4[%add3A_334, %dma_start3A_344, %dma_start3A_345] : memref<16384x26x32xf32, #tpu.memory_space<hbm>> -> memref<32x26x32xf32, #tpu.memory_space<hbm>>
    %dma_start3A_347 = arith.constant 0 : i32
    %dma_start3A_348 = arith.constant 0 : i32
    %dma_start3A_349 = arith.constant 0 : i32
    %dma_start3A_350 = tpu.memref_slice %arg6[%dma_start3A_335, %dma_start3A_347, %dma_start3A_348, %dma_start3A_349] : memref<4x32x26x32xf32, #tpu.memory_space<vmem>> -> memref<1x32x26x32xf32, #tpu.memory_space<vmem>>
    %dma_start3A_351 = tpu.memref_squeeze %dma_start3A_350 : memref<1x32x26x32xf32, #tpu.memory_space<vmem>> -> memref<32x26x32xf32, #tpu.memory_space<vmem>>
    tpu.enqueue_dma source(%dma_start3A_351 : memref<32x26x32xf32, #tpu.memory_space<vmem>>) target(%dma_start3A_346 : memref<32x26x32xf32, #tpu.memory_space<hbm>>) target_semaphore(%arg8 : memref<!tpu.dma_semaphore, #tpu.memory_space<semaphore_mem>>)
    %dma_wait3A_352 = arith.constant 2 : i32
    %dma_wait3A_353 = arith.constant 0 : i32
    %dma_wait3A_354 = arith.constant 0 : i32
    %dma_wait3A_355 = arith.constant 0 : i32
    %dma_wait3A_356 = tpu.memref_slice %arg6[%dma_wait3A_352, %dma_wait3A_353, %dma_wait3A_354, %dma_wait3A_355] : memref<4x32x26x32xf32, #tpu.memory_space<vmem>> -> memref<1x32x26x32xf32, #tpu.memory_space<vmem>>
    %dma_wait3A_357 = tpu.memref_squeeze %dma_wait3A_356 : memref<1x32x26x32xf32, #tpu.memory_space<vmem>> -> memref<32x26x32xf32, #tpu.memory_space<vmem>>
    %dma_wait3A_358 = arith.constant 0 : i32
    %dma_wait3A_359 = arith.constant 0 : i32
    %dma_wait3A_360 = arith.constant 0 : i32
    %dma_wait3A_361 = tpu.memref_slice %arg4[%dma_wait3A_358, %dma_wait3A_359, %dma_wait3A_360] : memref<16384x26x32xf32, #tpu.memory_space<hbm>> -> memref<32x26x32xf32, #tpu.memory_space<hbm>>
    %dma_wait3A_362 = arith.constant 0 : i32
    %dma_wait3A_363 = arith.constant 0 : i32
    %dma_wait3A_364 = arith.constant 0 : i32
    %dma_wait3A_365 = tpu.memref_slice %arg6[%dma_wait3A_352, %dma_wait3A_362, %dma_wait3A_363, %dma_wait3A_364] : memref<4x32x26x32xf32, #tpu.memory_space<vmem>> -> memref<1x32x26x32xf32, #tpu.memory_space<vmem>>
    %dma_wait3A_366 = tpu.memref_squeeze %dma_wait3A_365 : memref<1x32x26x32xf32, #tpu.memory_space<vmem>> -> memref<32x26x32xf32, #tpu.memory_space<vmem>>
    %dma_wait3A_367 = arith.constant 0 : i32
    %dma_wait3A_368 = arith.constant 0 : i32
    %dma_wait3A_369 = arith.constant 0 : i32
    %dma_wait3A_370 = tpu.memref_slice %arg4[%dma_wait3A_367, %dma_wait3A_368, %dma_wait3A_369] : memref<16384x26x32xf32, #tpu.memory_space<hbm>> -> memref<32x26x32xf32, #tpu.memory_space<hbm>>
    tpu.wait_dma2 semaphore(%arg7 : memref<!tpu.dma_semaphore, #tpu.memory_space<semaphore_mem>>) src(%dma_wait3A_370 : memref<32x26x32xf32, #tpu.memory_space<hbm>>) dst(%dma_wait3A_366 : memref<32x26x32xf32, #tpu.memory_space<vmem>>)
    %dma_wait3A_371 = arith.constant 0 : i32
    %dma_wait3A_372 = arith.constant 0 : i32
    %dma_wait3A_373 = arith.constant 0 : i32
    %dma_wait3A_374 = arith.constant 0 : i32
    %dma_wait3A_375 = tpu.memref_slice %arg6[%dma_wait3A_371, %dma_wait3A_372, %dma_wait3A_373, %dma_wait3A_374] : memref<4x32x26x32xf32, #tpu.memory_space<vmem>> -> memref<1x32x26x32xf32, #tpu.memory_space<vmem>>
    %dma_wait3A_376 = tpu.memref_squeeze %dma_wait3A_375 : memref<1x32x26x32xf32, #tpu.memory_space<vmem>> -> memref<32x26x32xf32, #tpu.memory_space<vmem>>
    %dma_wait3A_377 = arith.constant 0 : i32
    %dma_wait3A_378 = arith.constant 0 : i32
    %dma_wait3A_379 = tpu.memref_slice %arg4[%add3A_272, %dma_wait3A_377, %dma_wait3A_378] : memref<16384x26x32xf32, #tpu.memory_space<hbm>> -> memref<32x26x32xf32, #tpu.memory_space<hbm>>
    %dma_wait3A_380 = arith.constant 0 : i32
    %dma_wait3A_381 = arith.constant 0 : i32
    %dma_wait3A_382 = tpu.memref_slice %arg4[%add3A_272, %dma_wait3A_380, %dma_wait3A_381] : memref<16384x26x32xf32, #tpu.memory_space<hbm>> -> memref<32x26x32xf32, #tpu.memory_space<hbm>>
    %dma_wait3A_383 = arith.constant 0 : i32
    %dma_wait3A_384 = arith.constant 0 : i32
    %dma_wait3A_385 = arith.constant 0 : i32
    %dma_wait3A_386 = tpu.memref_slice %arg6[%dma_wait3A_371, %dma_wait3A_383, %dma_wait3A_384, %dma_wait3A_385] : memref<4x32x26x32xf32, #tpu.memory_space<vmem>> -> memref<1x32x26x32xf32, #tpu.memory_space<vmem>>
    %dma_wait3A_387 = tpu.memref_squeeze %dma_wait3A_386 : memref<1x32x26x32xf32, #tpu.memory_space<vmem>> -> memref<32x26x32xf32, #tpu.memory_space<vmem>>
    tpu.wait_dma2 semaphore(%arg8 : memref<!tpu.dma_semaphore, #tpu.memory_space<semaphore_mem>>) src(%dma_wait3A_387 : memref<32x26x32xf32, #tpu.memory_space<vmem>>) dst(%dma_wait3A_382 : memref<32x26x32xf32, #tpu.memory_space<hbm>>)
    %scan3A_388 = arith.constant 0 : i32
    %scan3A_389 = arith.constant 0 : i32
    %scan3A_390 = arith.constant 32 : i32
    %scan3A_391 = arith.addi %scan3A_389, %scan3A_390 : i32
    %scan3A_392 = arith.constant 1 : i32
    %scan3A_393 = scf.for %scan3A_992 = %scan3A_389 to %scan3A_391 step %scan3A_392 iter_args(%scan3A_993 = %scan3A_388) -> (i32)  : i32 {
      %add3A_994 = arith.constant 256 : i32
      %add3A_995 = arith.addi %add3A_994, %scan3A_992 : i32
      %dma_start3A_996 = arith.constant 0 : i32
      %dma_start3A_997 = arith.constant 0 : i32
      %dma_start3A_998 = arith.constant 0 : i32
      %dma_start3A_999 = tpu.memref_slice %arg6[%dma_start3A_996, %scan3A_992, %dma_start3A_997, %dma_start3A_998] : memref<4x32x26x32xf32, #tpu.memory_space<vmem>> -> memref<1x1x26x32xf32, #tpu.memory_space<vmem>>
      %dma_start3A_1000 = tpu.memref_squeeze %dma_start3A_999 : memref<1x1x26x32xf32, #tpu.memory_space<vmem>> -> memref<26x32xf32, #tpu.memory_space<vmem>>
      %dma_start3A_1001 = arith.constant 0 : i32
      %dma_start3A_1002 = tpu.memref_slice %arg5[%add3A_995, %dma_start3A_1001] : memref<512x26xi32, #tpu.memory_space<vmem>> -> memref<1x26xi32, #tpu.memory_space<vmem>>
      %dma_start3A_1003 = tpu.memref_squeeze %dma_start3A_1002 : memref<1x26xi32, #tpu.memory_space<vmem>> -> memref<26xi32, #tpu.memory_space<vmem>>
      %dma_start3A_1004 = arith.constant 0 : i32
      %dma_start3A_1005 = arith.constant 0 : i32
      %dma_start3A_1006 = tpu.memref_slice %arg2[%dma_start3A_1004, %dma_start3A_1005] : memref<1000000x32xf32, #tpu.memory_space<hbm>> -> memref<1000000x32xf32, #tpu.memory_space<hbm>>
      tpu.enqueue_indirect_dma source(%dma_start3A_1006 : memref<1000000x32xf32, #tpu.memory_space<hbm>>) target(%dma_start3A_1000 : memref<26x32xf32, #tpu.memory_space<vmem>>) offsets(%dma_start3A_1003 : memref<26xi32, #tpu.memory_space<vmem>>) semaphore(%arg7 : memref<!tpu.dma_semaphore, #tpu.memory_space<semaphore_mem>>)
      %scan3A_1007 = arith.constant 0 : i32
      scf.yield %scan3A_1007 : i32
    }
    %scan3A_394 = arith.constant 32 : i32
    %add3A_395 = arith.constant 192 : i32
    %add3A_396 = arith.addi %mul3A_2, %add3A_395 : i32
    %dma_start3A_397 = arith.constant 2 : i32
    %dma_start3A_398 = arith.constant 0 : i32
    %dma_start3A_399 = arith.constant 0 : i32
    %dma_start3A_400 = arith.constant 0 : i32
    %dma_start3A_401 = tpu.memref_slice %arg6[%dma_start3A_397, %dma_start3A_398, %dma_start3A_399, %dma_start3A_400] : memref<4x32x26x32xf32, #tpu.memory_space<vmem>> -> memref<1x32x26x32xf32, #tpu.memory_space<vmem>>
    %dma_start3A_402 = tpu.memref_squeeze %dma_start3A_401 : memref<1x32x26x32xf32, #tpu.memory_space<vmem>> -> memref<32x26x32xf32, #tpu.memory_space<vmem>>
    %dma_start3A_403 = arith.constant 0 : i32
    %dma_start3A_404 = arith.constant 0 : i32
    %dma_start3A_405 = tpu.memref_slice %arg4[%add3A_396, %dma_start3A_403, %dma_start3A_404] : memref<16384x26x32xf32, #tpu.memory_space<hbm>> -> memref<32x26x32xf32, #tpu.memory_space<hbm>>
    %dma_start3A_406 = arith.constant 0 : i32
    %dma_start3A_407 = arith.constant 0 : i32
    %dma_start3A_408 = tpu.memref_slice %arg4[%add3A_396, %dma_start3A_406, %dma_start3A_407] : memref<16384x26x32xf32, #tpu.memory_space<hbm>> -> memref<32x26x32xf32, #tpu.memory_space<hbm>>
    %dma_start3A_409 = arith.constant 0 : i32
    %dma_start3A_410 = arith.constant 0 : i32
    %dma_start3A_411 = arith.constant 0 : i32
    %dma_start3A_412 = tpu.memref_slice %arg6[%dma_start3A_397, %dma_start3A_409, %dma_start3A_410, %dma_start3A_411] : memref<4x32x26x32xf32, #tpu.memory_space<vmem>> -> memref<1x32x26x32xf32, #tpu.memory_space<vmem>>
    %dma_start3A_413 = tpu.memref_squeeze %dma_start3A_412 : memref<1x32x26x32xf32, #tpu.memory_space<vmem>> -> memref<32x26x32xf32, #tpu.memory_space<vmem>>
    tpu.enqueue_dma source(%dma_start3A_413 : memref<32x26x32xf32, #tpu.memory_space<vmem>>) target(%dma_start3A_408 : memref<32x26x32xf32, #tpu.memory_space<hbm>>) target_semaphore(%arg8 : memref<!tpu.dma_semaphore, #tpu.memory_space<semaphore_mem>>)
    %dma_wait3A_414 = arith.constant 3 : i32
    %dma_wait3A_415 = arith.constant 0 : i32
    %dma_wait3A_416 = arith.constant 0 : i32
    %dma_wait3A_417 = arith.constant 0 : i32
    %dma_wait3A_418 = tpu.memref_slice %arg6[%dma_wait3A_414, %dma_wait3A_415, %dma_wait3A_416, %dma_wait3A_417] : memref<4x32x26x32xf32, #tpu.memory_space<vmem>> -> memref<1x32x26x32xf32, #tpu.memory_space<vmem>>
    %dma_wait3A_419 = tpu.memref_squeeze %dma_wait3A_418 : memref<1x32x26x32xf32, #tpu.memory_space<vmem>> -> memref<32x26x32xf32, #tpu.memory_space<vmem>>
    %dma_wait3A_420 = arith.constant 0 : i32
    %dma_wait3A_421 = arith.constant 0 : i32
    %dma_wait3A_422 = arith.constant 0 : i32
    %dma_wait3A_423 = tpu.memref_slice %arg4[%dma_wait3A_420, %dma_wait3A_421, %dma_wait3A_422] : memref<16384x26x32xf32, #tpu.memory_space<hbm>> -> memref<32x26x32xf32, #tpu.memory_space<hbm>>
    %dma_wait3A_424 = arith.constant 0 : i32
    %dma_wait3A_425 = arith.constant 0 : i32
    %dma_wait3A_426 = arith.constant 0 : i32
    %dma_wait3A_427 = tpu.memref_slice %arg6[%dma_wait3A_414, %dma_wait3A_424, %dma_wait3A_425, %dma_wait3A_426] : memref<4x32x26x32xf32, #tpu.memory_space<vmem>> -> memref<1x32x26x32xf32, #tpu.memory_space<vmem>>
    %dma_wait3A_428 = tpu.memref_squeeze %dma_wait3A_427 : memref<1x32x26x32xf32, #tpu.memory_space<vmem>> -> memref<32x26x32xf32, #tpu.memory_space<vmem>>
    %dma_wait3A_429 = arith.constant 0 : i32
    %dma_wait3A_430 = arith.constant 0 : i32
    %dma_wait3A_431 = arith.constant 0 : i32
    %dma_wait3A_432 = tpu.memref_slice %arg4[%dma_wait3A_429, %dma_wait3A_430, %dma_wait3A_431] : memref<16384x26x32xf32, #tpu.memory_space<hbm>> -> memref<32x26x32xf32, #tpu.memory_space<hbm>>
    tpu.wait_dma2 semaphore(%arg7 : memref<!tpu.dma_semaphore, #tpu.memory_space<semaphore_mem>>) src(%dma_wait3A_432 : memref<32x26x32xf32, #tpu.memory_space<hbm>>) dst(%dma_wait3A_428 : memref<32x26x32xf32, #tpu.memory_space<vmem>>)
    %dma_wait3A_433 = arith.constant 1 : i32
    %dma_wait3A_434 = arith.constant 0 : i32
    %dma_wait3A_435 = arith.constant 0 : i32
    %dma_wait3A_436 = arith.constant 0 : i32
    %dma_wait3A_437 = tpu.memref_slice %arg6[%dma_wait3A_433, %dma_wait3A_434, %dma_wait3A_435, %dma_wait3A_436] : memref<4x32x26x32xf32, #tpu.memory_space<vmem>> -> memref<1x32x26x32xf32, #tpu.memory_space<vmem>>
    %dma_wait3A_438 = tpu.memref_squeeze %dma_wait3A_437 : memref<1x32x26x32xf32, #tpu.memory_space<vmem>> -> memref<32x26x32xf32, #tpu.memory_space<vmem>>
    %dma_wait3A_439 = arith.constant 0 : i32
    %dma_wait3A_440 = arith.constant 0 : i32
    %dma_wait3A_441 = tpu.memref_slice %arg4[%add3A_334, %dma_wait3A_439, %dma_wait3A_440] : memref<16384x26x32xf32, #tpu.memory_space<hbm>> -> memref<32x26x32xf32, #tpu.memory_space<hbm>>
    %dma_wait3A_442 = arith.constant 0 : i32
    %dma_wait3A_443 = arith.constant 0 : i32
    %dma_wait3A_444 = tpu.memref_slice %arg4[%add3A_334, %dma_wait3A_442, %dma_wait3A_443] : memref<16384x26x32xf32, #tpu.memory_space<hbm>> -> memref<32x26x32xf32, #tpu.memory_space<hbm>>
    %dma_wait3A_445 = arith.constant 0 : i32
    %dma_wait3A_446 = arith.constant 0 : i32
    %dma_wait3A_447 = arith.constant 0 : i32
    %dma_wait3A_448 = tpu.memref_slice %arg6[%dma_wait3A_433, %dma_wait3A_445, %dma_wait3A_446, %dma_wait3A_447] : memref<4x32x26x32xf32, #tpu.memory_space<vmem>> -> memref<1x32x26x32xf32, #tpu.memory_space<vmem>>
    %dma_wait3A_449 = tpu.memref_squeeze %dma_wait3A_448 : memref<1x32x26x32xf32, #tpu.memory_space<vmem>> -> memref<32x26x32xf32, #tpu.memory_space<vmem>>
    tpu.wait_dma2 semaphore(%arg8 : memref<!tpu.dma_semaphore, #tpu.memory_space<semaphore_mem>>) src(%dma_wait3A_449 : memref<32x26x32xf32, #tpu.memory_space<vmem>>) dst(%dma_wait3A_444 : memref<32x26x32xf32, #tpu.memory_space<hbm>>)
    %scan3A_450 = arith.constant 0 : i32
    %scan3A_451 = arith.constant 0 : i32
    %scan3A_452 = arith.constant 32 : i32
    %scan3A_453 = arith.addi %scan3A_451, %scan3A_452 : i32
    %scan3A_454 = arith.constant 1 : i32
    %scan3A_455 = scf.for %scan3A_992 = %scan3A_451 to %scan3A_453 step %scan3A_454 iter_args(%scan3A_993 = %scan3A_450) -> (i32)  : i32 {
      %add3A_994 = arith.constant 288 : i32
      %add3A_995 = arith.addi %add3A_994, %scan3A_992 : i32
      %dma_start3A_996 = arith.constant 1 : i32
      %dma_start3A_997 = arith.constant 0 : i32
      %dma_start3A_998 = arith.constant 0 : i32
      %dma_start3A_999 = tpu.memref_slice %arg6[%dma_start3A_996, %scan3A_992, %dma_start3A_997, %dma_start3A_998] : memref<4x32x26x32xf32, #tpu.memory_space<vmem>> -> memref<1x1x26x32xf32, #tpu.memory_space<vmem>>
      %dma_start3A_1000 = tpu.memref_squeeze %dma_start3A_999 : memref<1x1x26x32xf32, #tpu.memory_space<vmem>> -> memref<26x32xf32, #tpu.memory_space<vmem>>
      %dma_start3A_1001 = arith.constant 0 : i32
      %dma_start3A_1002 = tpu.memref_slice %arg5[%add3A_995, %dma_start3A_1001] : memref<512x26xi32, #tpu.memory_space<vmem>> -> memref<1x26xi32, #tpu.memory_space<vmem>>
      %dma_start3A_1003 = tpu.memref_squeeze %dma_start3A_1002 : memref<1x26xi32, #tpu.memory_space<vmem>> -> memref<26xi32, #tpu.memory_space<vmem>>
      %dma_start3A_1004 = arith.constant 0 : i32
      %dma_start3A_1005 = arith.constant 0 : i32
      %dma_start3A_1006 = tpu.memref_slice %arg2[%dma_start3A_1004, %dma_start3A_1005] : memref<1000000x32xf32, #tpu.memory_space<hbm>> -> memref<1000000x32xf32, #tpu.memory_space<hbm>>
      tpu.enqueue_indirect_dma source(%dma_start3A_1006 : memref<1000000x32xf32, #tpu.memory_space<hbm>>) target(%dma_start3A_1000 : memref<26x32xf32, #tpu.memory_space<vmem>>) offsets(%dma_start3A_1003 : memref<26xi32, #tpu.memory_space<vmem>>) semaphore(%arg7 : memref<!tpu.dma_semaphore, #tpu.memory_space<semaphore_mem>>)
      %scan3A_1007 = arith.constant 0 : i32
      scf.yield %scan3A_1007 : i32
    }
    %scan3A_456 = arith.constant 32 : i32
    %add3A_457 = arith.constant 224 : i32
    %add3A_458 = arith.addi %mul3A_2, %add3A_457 : i32
    %dma_start3A_459 = arith.constant 3 : i32
    %dma_start3A_460 = arith.constant 0 : i32
    %dma_start3A_461 = arith.constant 0 : i32
    %dma_start3A_462 = arith.constant 0 : i32
    %dma_start3A_463 = tpu.memref_slice %arg6[%dma_start3A_459, %dma_start3A_460, %dma_start3A_461, %dma_start3A_462] : memref<4x32x26x32xf32, #tpu.memory_space<vmem>> -> memref<1x32x26x32xf32, #tpu.memory_space<vmem>>
    %dma_start3A_464 = tpu.memref_squeeze %dma_start3A_463 : memref<1x32x26x32xf32, #tpu.memory_space<vmem>> -> memref<32x26x32xf32, #tpu.memory_space<vmem>>
    %dma_start3A_465 = arith.constant 0 : i32
    %dma_start3A_466 = arith.constant 0 : i32
    %dma_start3A_467 = tpu.memref_slice %arg4[%add3A_458, %dma_start3A_465, %dma_start3A_466] : memref<16384x26x32xf32, #tpu.memory_space<hbm>> -> memref<32x26x32xf32, #tpu.memory_space<hbm>>
    %dma_start3A_468 = arith.constant 0 : i32
    %dma_start3A_469 = arith.constant 0 : i32
    %dma_start3A_470 = tpu.memref_slice %arg4[%add3A_458, %dma_start3A_468, %dma_start3A_469] : memref<16384x26x32xf32, #tpu.memory_space<hbm>> -> memref<32x26x32xf32, #tpu.memory_space<hbm>>
    %dma_start3A_471 = arith.constant 0 : i32
    %dma_start3A_472 = arith.constant 0 : i32
    %dma_start3A_473 = arith.constant 0 : i32
    %dma_start3A_474 = tpu.memref_slice %arg6[%dma_start3A_459, %dma_start3A_471, %dma_start3A_472, %dma_start3A_473] : memref<4x32x26x32xf32, #tpu.memory_space<vmem>> -> memref<1x32x26x32xf32, #tpu.memory_space<vmem>>
    %dma_start3A_475 = tpu.memref_squeeze %dma_start3A_474 : memref<1x32x26x32xf32, #tpu.memory_space<vmem>> -> memref<32x26x32xf32, #tpu.memory_space<vmem>>
    tpu.enqueue_dma source(%dma_start3A_475 : memref<32x26x32xf32, #tpu.memory_space<vmem>>) target(%dma_start3A_470 : memref<32x26x32xf32, #tpu.memory_space<hbm>>) target_semaphore(%arg8 : memref<!tpu.dma_semaphore, #tpu.memory_space<semaphore_mem>>)
    %dma_wait3A_476 = arith.constant 0 : i32
    %dma_wait3A_477 = arith.constant 0 : i32
    %dma_wait3A_478 = arith.constant 0 : i32
    %dma_wait3A_479 = arith.constant 0 : i32
    %dma_wait3A_480 = tpu.memref_slice %arg6[%dma_wait3A_476, %dma_wait3A_477, %dma_wait3A_478, %dma_wait3A_479] : memref<4x32x26x32xf32, #tpu.memory_space<vmem>> -> memref<1x32x26x32xf32, #tpu.memory_space<vmem>>
    %dma_wait3A_481 = tpu.memref_squeeze %dma_wait3A_480 : memref<1x32x26x32xf32, #tpu.memory_space<vmem>> -> memref<32x26x32xf32, #tpu.memory_space<vmem>>
    %dma_wait3A_482 = arith.constant 0 : i32
    %dma_wait3A_483 = arith.constant 0 : i32
    %dma_wait3A_484 = arith.constant 0 : i32
    %dma_wait3A_485 = tpu.memref_slice %arg4[%dma_wait3A_482, %dma_wait3A_483, %dma_wait3A_484] : memref<16384x26x32xf32, #tpu.memory_space<hbm>> -> memref<32x26x32xf32, #tpu.memory_space<hbm>>
    %dma_wait3A_486 = arith.constant 0 : i32
    %dma_wait3A_487 = arith.constant 0 : i32
    %dma_wait3A_488 = arith.constant 0 : i32
    %dma_wait3A_489 = tpu.memref_slice %arg6[%dma_wait3A_476, %dma_wait3A_486, %dma_wait3A_487, %dma_wait3A_488] : memref<4x32x26x32xf32, #tpu.memory_space<vmem>> -> memref<1x32x26x32xf32, #tpu.memory_space<vmem>>
    %dma_wait3A_490 = tpu.memref_squeeze %dma_wait3A_489 : memref<1x32x26x32xf32, #tpu.memory_space<vmem>> -> memref<32x26x32xf32, #tpu.memory_space<vmem>>
    %dma_wait3A_491 = arith.constant 0 : i32
    %dma_wait3A_492 = arith.constant 0 : i32
    %dma_wait3A_493 = arith.constant 0 : i32
    %dma_wait3A_494 = tpu.memref_slice %arg4[%dma_wait3A_491, %dma_wait3A_492, %dma_wait3A_493] : memref<16384x26x32xf32, #tpu.memory_space<hbm>> -> memref<32x26x32xf32, #tpu.memory_space<hbm>>
    tpu.wait_dma2 semaphore(%arg7 : memref<!tpu.dma_semaphore, #tpu.memory_space<semaphore_mem>>) src(%dma_wait3A_494 : memref<32x26x32xf32, #tpu.memory_space<hbm>>) dst(%dma_wait3A_490 : memref<32x26x32xf32, #tpu.memory_space<vmem>>)
    %dma_wait3A_495 = arith.constant 2 : i32
    %dma_wait3A_496 = arith.constant 0 : i32
    %dma_wait3A_497 = arith.constant 0 : i32
    %dma_wait3A_498 = arith.constant 0 : i32
    %dma_wait3A_499 = tpu.memref_slice %arg6[%dma_wait3A_495, %dma_wait3A_496, %dma_wait3A_497, %dma_wait3A_498] : memref<4x32x26x32xf32, #tpu.memory_space<vmem>> -> memref<1x32x26x32xf32, #tpu.memory_space<vmem>>
    %dma_wait3A_500 = tpu.memref_squeeze %dma_wait3A_499 : memref<1x32x26x32xf32, #tpu.memory_space<vmem>> -> memref<32x26x32xf32, #tpu.memory_space<vmem>>
    %dma_wait3A_501 = arith.constant 0 : i32
    %dma_wait3A_502 = arith.constant 0 : i32
    %dma_wait3A_503 = tpu.memref_slice %arg4[%add3A_396, %dma_wait3A_501, %dma_wait3A_502] : memref<16384x26x32xf32, #tpu.memory_space<hbm>> -> memref<32x26x32xf32, #tpu.memory_space<hbm>>
    %dma_wait3A_504 = arith.constant 0 : i32
    %dma_wait3A_505 = arith.constant 0 : i32
    %dma_wait3A_506 = tpu.memref_slice %arg4[%add3A_396, %dma_wait3A_504, %dma_wait3A_505] : memref<16384x26x32xf32, #tpu.memory_space<hbm>> -> memref<32x26x32xf32, #tpu.memory_space<hbm>>
    %dma_wait3A_507 = arith.constant 0 : i32
    %dma_wait3A_508 = arith.constant 0 : i32
    %dma_wait3A_509 = arith.constant 0 : i32
    %dma_wait3A_510 = tpu.memref_slice %arg6[%dma_wait3A_495, %dma_wait3A_507, %dma_wait3A_508, %dma_wait3A_509] : memref<4x32x26x32xf32, #tpu.memory_space<vmem>> -> memref<1x32x26x32xf32, #tpu.memory_space<vmem>>
    %dma_wait3A_511 = tpu.memref_squeeze %dma_wait3A_510 : memref<1x32x26x32xf32, #tpu.memory_space<vmem>> -> memref<32x26x32xf32, #tpu.memory_space<vmem>>
    tpu.wait_dma2 semaphore(%arg8 : memref<!tpu.dma_semaphore, #tpu.memory_space<semaphore_mem>>) src(%dma_wait3A_511 : memref<32x26x32xf32, #tpu.memory_space<vmem>>) dst(%dma_wait3A_506 : memref<32x26x32xf32, #tpu.memory_space<hbm>>)
    %scan3A_512 = arith.constant 0 : i32
    %scan3A_513 = arith.constant 0 : i32
    %scan3A_514 = arith.constant 32 : i32
    %scan3A_515 = arith.addi %scan3A_513, %scan3A_514 : i32
    %scan3A_516 = arith.constant 1 : i32
    %scan3A_517 = scf.for %scan3A_992 = %scan3A_513 to %scan3A_515 step %scan3A_516 iter_args(%scan3A_993 = %scan3A_512) -> (i32)  : i32 {
      %add3A_994 = arith.constant 320 : i32
      %add3A_995 = arith.addi %add3A_994, %scan3A_992 : i32
      %dma_start3A_996 = arith.constant 2 : i32
      %dma_start3A_997 = arith.constant 0 : i32
      %dma_start3A_998 = arith.constant 0 : i32
      %dma_start3A_999 = tpu.memref_slice %arg6[%dma_start3A_996, %scan3A_992, %dma_start3A_997, %dma_start3A_998] : memref<4x32x26x32xf32, #tpu.memory_space<vmem>> -> memref<1x1x26x32xf32, #tpu.memory_space<vmem>>
      %dma_start3A_1000 = tpu.memref_squeeze %dma_start3A_999 : memref<1x1x26x32xf32, #tpu.memory_space<vmem>> -> memref<26x32xf32, #tpu.memory_space<vmem>>
      %dma_start3A_1001 = arith.constant 0 : i32
      %dma_start3A_1002 = tpu.memref_slice %arg5[%add3A_995, %dma_start3A_1001] : memref<512x26xi32, #tpu.memory_space<vmem>> -> memref<1x26xi32, #tpu.memory_space<vmem>>
      %dma_start3A_1003 = tpu.memref_squeeze %dma_start3A_1002 : memref<1x26xi32, #tpu.memory_space<vmem>> -> memref<26xi32, #tpu.memory_space<vmem>>
      %dma_start3A_1004 = arith.constant 0 : i32
      %dma_start3A_1005 = arith.constant 0 : i32
      %dma_start3A_1006 = tpu.memref_slice %arg2[%dma_start3A_1004, %dma_start3A_1005] : memref<1000000x32xf32, #tpu.memory_space<hbm>> -> memref<1000000x32xf32, #tpu.memory_space<hbm>>
      tpu.enqueue_indirect_dma source(%dma_start3A_1006 : memref<1000000x32xf32, #tpu.memory_space<hbm>>) target(%dma_start3A_1000 : memref<26x32xf32, #tpu.memory_space<vmem>>) offsets(%dma_start3A_1003 : memref<26xi32, #tpu.memory_space<vmem>>) semaphore(%arg7 : memref<!tpu.dma_semaphore, #tpu.memory_space<semaphore_mem>>)
      %scan3A_1007 = arith.constant 0 : i32
      scf.yield %scan3A_1007 : i32
    }
    %scan3A_518 = arith.constant 32 : i32
    %add3A_519 = arith.constant 256 : i32
    %add3A_520 = arith.addi %mul3A_2, %add3A_519 : i32
    %dma_start3A_521 = arith.constant 0 : i32
    %dma_start3A_522 = arith.constant 0 : i32
    %dma_start3A_523 = arith.constant 0 : i32
    %dma_start3A_524 = arith.constant 0 : i32
    %dma_start3A_525 = tpu.memref_slice %arg6[%dma_start3A_521, %dma_start3A_522, %dma_start3A_523, %dma_start3A_524] : memref<4x32x26x32xf32, #tpu.memory_space<vmem>> -> memref<1x32x26x32xf32, #tpu.memory_space<vmem>>
    %dma_start3A_526 = tpu.memref_squeeze %dma_start3A_525 : memref<1x32x26x32xf32, #tpu.memory_space<vmem>> -> memref<32x26x32xf32, #tpu.memory_space<vmem>>
    %dma_start3A_527 = arith.constant 0 : i32
    %dma_start3A_528 = arith.constant 0 : i32
    %dma_start3A_529 = tpu.memref_slice %arg4[%add3A_520, %dma_start3A_527, %dma_start3A_528] : memref<16384x26x32xf32, #tpu.memory_space<hbm>> -> memref<32x26x32xf32, #tpu.memory_space<hbm>>
    %dma_start3A_530 = arith.constant 0 : i32
    %dma_start3A_531 = arith.constant 0 : i32
    %dma_start3A_532 = tpu.memref_slice %arg4[%add3A_520, %dma_start3A_530, %dma_start3A_531] : memref<16384x26x32xf32, #tpu.memory_space<hbm>> -> memref<32x26x32xf32, #tpu.memory_space<hbm>>
    %dma_start3A_533 = arith.constant 0 : i32
    %dma_start3A_534 = arith.constant 0 : i32
    %dma_start3A_535 = arith.constant 0 : i32
    %dma_start3A_536 = tpu.memref_slice %arg6[%dma_start3A_521, %dma_start3A_533, %dma_start3A_534, %dma_start3A_535] : memref<4x32x26x32xf32, #tpu.memory_space<vmem>> -> memref<1x32x26x32xf32, #tpu.memory_space<vmem>>
    %dma_start3A_537 = tpu.memref_squeeze %dma_start3A_536 : memref<1x32x26x32xf32, #tpu.memory_space<vmem>> -> memref<32x26x32xf32, #tpu.memory_space<vmem>>
    tpu.enqueue_dma source(%dma_start3A_537 : memref<32x26x32xf32, #tpu.memory_space<vmem>>) target(%dma_start3A_532 : memref<32x26x32xf32, #tpu.memory_space<hbm>>) target_semaphore(%arg8 : memref<!tpu.dma_semaphore, #tpu.memory_space<semaphore_mem>>)
    %dma_wait3A_538 = arith.constant 1 : i32
    %dma_wait3A_539 = arith.constant 0 : i32
    %dma_wait3A_540 = arith.constant 0 : i32
    %dma_wait3A_541 = arith.constant 0 : i32
    %dma_wait3A_542 = tpu.memref_slice %arg6[%dma_wait3A_538, %dma_wait3A_539, %dma_wait3A_540, %dma_wait3A_541] : memref<4x32x26x32xf32, #tpu.memory_space<vmem>> -> memref<1x32x26x32xf32, #tpu.memory_space<vmem>>
    %dma_wait3A_543 = tpu.memref_squeeze %dma_wait3A_542 : memref<1x32x26x32xf32, #tpu.memory_space<vmem>> -> memref<32x26x32xf32, #tpu.memory_space<vmem>>
    %dma_wait3A_544 = arith.constant 0 : i32
    %dma_wait3A_545 = arith.constant 0 : i32
    %dma_wait3A_546 = arith.constant 0 : i32
    %dma_wait3A_547 = tpu.memref_slice %arg4[%dma_wait3A_544, %dma_wait3A_545, %dma_wait3A_546] : memref<16384x26x32xf32, #tpu.memory_space<hbm>> -> memref<32x26x32xf32, #tpu.memory_space<hbm>>
    %dma_wait3A_548 = arith.constant 0 : i32
    %dma_wait3A_549 = arith.constant 0 : i32
    %dma_wait3A_550 = arith.constant 0 : i32
    %dma_wait3A_551 = tpu.memref_slice %arg6[%dma_wait3A_538, %dma_wait3A_548, %dma_wait3A_549, %dma_wait3A_550] : memref<4x32x26x32xf32, #tpu.memory_space<vmem>> -> memref<1x32x26x32xf32, #tpu.memory_space<vmem>>
    %dma_wait3A_552 = tpu.memref_squeeze %dma_wait3A_551 : memref<1x32x26x32xf32, #tpu.memory_space<vmem>> -> memref<32x26x32xf32, #tpu.memory_space<vmem>>
    %dma_wait3A_553 = arith.constant 0 : i32
    %dma_wait3A_554 = arith.constant 0 : i32
    %dma_wait3A_555 = arith.constant 0 : i32
    %dma_wait3A_556 = tpu.memref_slice %arg4[%dma_wait3A_553, %dma_wait3A_554, %dma_wait3A_555] : memref<16384x26x32xf32, #tpu.memory_space<hbm>> -> memref<32x26x32xf32, #tpu.memory_space<hbm>>
    tpu.wait_dma2 semaphore(%arg7 : memref<!tpu.dma_semaphore, #tpu.memory_space<semaphore_mem>>) src(%dma_wait3A_556 : memref<32x26x32xf32, #tpu.memory_space<hbm>>) dst(%dma_wait3A_552 : memref<32x26x32xf32, #tpu.memory_space<vmem>>)
    %dma_wait3A_557 = arith.constant 3 : i32
    %dma_wait3A_558 = arith.constant 0 : i32
    %dma_wait3A_559 = arith.constant 0 : i32
    %dma_wait3A_560 = arith.constant 0 : i32
    %dma_wait3A_561 = tpu.memref_slice %arg6[%dma_wait3A_557, %dma_wait3A_558, %dma_wait3A_559, %dma_wait3A_560] : memref<4x32x26x32xf32, #tpu.memory_space<vmem>> -> memref<1x32x26x32xf32, #tpu.memory_space<vmem>>
    %dma_wait3A_562 = tpu.memref_squeeze %dma_wait3A_561 : memref<1x32x26x32xf32, #tpu.memory_space<vmem>> -> memref<32x26x32xf32, #tpu.memory_space<vmem>>
    %dma_wait3A_563 = arith.constant 0 : i32
    %dma_wait3A_564 = arith.constant 0 : i32
    %dma_wait3A_565 = tpu.memref_slice %arg4[%add3A_458, %dma_wait3A_563, %dma_wait3A_564] : memref<16384x26x32xf32, #tpu.memory_space<hbm>> -> memref<32x26x32xf32, #tpu.memory_space<hbm>>
    %dma_wait3A_566 = arith.constant 0 : i32
    %dma_wait3A_567 = arith.constant 0 : i32
    %dma_wait3A_568 = tpu.memref_slice %arg4[%add3A_458, %dma_wait3A_566, %dma_wait3A_567] : memref<16384x26x32xf32, #tpu.memory_space<hbm>> -> memref<32x26x32xf32, #tpu.memory_space<hbm>>
    %dma_wait3A_569 = arith.constant 0 : i32
    %dma_wait3A_570 = arith.constant 0 : i32
    %dma_wait3A_571 = arith.constant 0 : i32
    %dma_wait3A_572 = tpu.memref_slice %arg6[%dma_wait3A_557, %dma_wait3A_569, %dma_wait3A_570, %dma_wait3A_571] : memref<4x32x26x32xf32, #tpu.memory_space<vmem>> -> memref<1x32x26x32xf32, #tpu.memory_space<vmem>>
    %dma_wait3A_573 = tpu.memref_squeeze %dma_wait3A_572 : memref<1x32x26x32xf32, #tpu.memory_space<vmem>> -> memref<32x26x32xf32, #tpu.memory_space<vmem>>
    tpu.wait_dma2 semaphore(%arg8 : memref<!tpu.dma_semaphore, #tpu.memory_space<semaphore_mem>>) src(%dma_wait3A_573 : memref<32x26x32xf32, #tpu.memory_space<vmem>>) dst(%dma_wait3A_568 : memref<32x26x32xf32, #tpu.memory_space<hbm>>)
    %scan3A_574 = arith.constant 0 : i32
    %scan3A_575 = arith.constant 0 : i32
    %scan3A_576 = arith.constant 32 : i32
    %scan3A_577 = arith.addi %scan3A_575, %scan3A_576 : i32
    %scan3A_578 = arith.constant 1 : i32
    %scan3A_579 = scf.for %scan3A_992 = %scan3A_575 to %scan3A_577 step %scan3A_578 iter_args(%scan3A_993 = %scan3A_574) -> (i32)  : i32 {
      %add3A_994 = arith.constant 352 : i32
      %add3A_995 = arith.addi %add3A_994, %scan3A_992 : i32
      %dma_start3A_996 = arith.constant 3 : i32
      %dma_start3A_997 = arith.constant 0 : i32
      %dma_start3A_998 = arith.constant 0 : i32
      %dma_start3A_999 = tpu.memref_slice %arg6[%dma_start3A_996, %scan3A_992, %dma_start3A_997, %dma_start3A_998] : memref<4x32x26x32xf32, #tpu.memory_space<vmem>> -> memref<1x1x26x32xf32, #tpu.memory_space<vmem>>
      %dma_start3A_1000 = tpu.memref_squeeze %dma_start3A_999 : memref<1x1x26x32xf32, #tpu.memory_space<vmem>> -> memref<26x32xf32, #tpu.memory_space<vmem>>
      %dma_start3A_1001 = arith.constant 0 : i32
      %dma_start3A_1002 = tpu.memref_slice %arg5[%add3A_995, %dma_start3A_1001] : memref<512x26xi32, #tpu.memory_space<vmem>> -> memref<1x26xi32, #tpu.memory_space<vmem>>
      %dma_start3A_1003 = tpu.memref_squeeze %dma_start3A_1002 : memref<1x26xi32, #tpu.memory_space<vmem>> -> memref<26xi32, #tpu.memory_space<vmem>>
      %dma_start3A_1004 = arith.constant 0 : i32
      %dma_start3A_1005 = arith.constant 0 : i32
      %dma_start3A_1006 = tpu.memref_slice %arg2[%dma_start3A_1004, %dma_start3A_1005] : memref<1000000x32xf32, #tpu.memory_space<hbm>> -> memref<1000000x32xf32, #tpu.memory_space<hbm>>
      tpu.enqueue_indirect_dma source(%dma_start3A_1006 : memref<1000000x32xf32, #tpu.memory_space<hbm>>) target(%dma_start3A_1000 : memref<26x32xf32, #tpu.memory_space<vmem>>) offsets(%dma_start3A_1003 : memref<26xi32, #tpu.memory_space<vmem>>) semaphore(%arg7 : memref<!tpu.dma_semaphore, #tpu.memory_space<semaphore_mem>>)
      %scan3A_1007 = arith.constant 0 : i32
      scf.yield %scan3A_1007 : i32
    }
    %scan3A_580 = arith.constant 32 : i32
    %add3A_581 = arith.constant 288 : i32
    %add3A_582 = arith.addi %mul3A_2, %add3A_581 : i32
    %dma_start3A_583 = arith.constant 1 : i32
    %dma_start3A_584 = arith.constant 0 : i32
    %dma_start3A_585 = arith.constant 0 : i32
    %dma_start3A_586 = arith.constant 0 : i32
    %dma_start3A_587 = tpu.memref_slice %arg6[%dma_start3A_583, %dma_start3A_584, %dma_start3A_585, %dma_start3A_586] : memref<4x32x26x32xf32, #tpu.memory_space<vmem>> -> memref<1x32x26x32xf32, #tpu.memory_space<vmem>>
    %dma_start3A_588 = tpu.memref_squeeze %dma_start3A_587 : memref<1x32x26x32xf32, #tpu.memory_space<vmem>> -> memref<32x26x32xf32, #tpu.memory_space<vmem>>
    %dma_start3A_589 = arith.constant 0 : i32
    %dma_start3A_590 = arith.constant 0 : i32
    %dma_start3A_591 = tpu.memref_slice %arg4[%add3A_582, %dma_start3A_589, %dma_start3A_590] : memref<16384x26x32xf32, #tpu.memory_space<hbm>> -> memref<32x26x32xf32, #tpu.memory_space<hbm>>
    %dma_start3A_592 = arith.constant 0 : i32
    %dma_start3A_593 = arith.constant 0 : i32
    %dma_start3A_594 = tpu.memref_slice %arg4[%add3A_582, %dma_start3A_592, %dma_start3A_593] : memref<16384x26x32xf32, #tpu.memory_space<hbm>> -> memref<32x26x32xf32, #tpu.memory_space<hbm>>
    %dma_start3A_595 = arith.constant 0 : i32
    %dma_start3A_596 = arith.constant 0 : i32
    %dma_start3A_597 = arith.constant 0 : i32
    %dma_start3A_598 = tpu.memref_slice %arg6[%dma_start3A_583, %dma_start3A_595, %dma_start3A_596, %dma_start3A_597] : memref<4x32x26x32xf32, #tpu.memory_space<vmem>> -> memref<1x32x26x32xf32, #tpu.memory_space<vmem>>
    %dma_start3A_599 = tpu.memref_squeeze %dma_start3A_598 : memref<1x32x26x32xf32, #tpu.memory_space<vmem>> -> memref<32x26x32xf32, #tpu.memory_space<vmem>>
    tpu.enqueue_dma source(%dma_start3A_599 : memref<32x26x32xf32, #tpu.memory_space<vmem>>) target(%dma_start3A_594 : memref<32x26x32xf32, #tpu.memory_space<hbm>>) target_semaphore(%arg8 : memref<!tpu.dma_semaphore, #tpu.memory_space<semaphore_mem>>)
    %dma_wait3A_600 = arith.constant 2 : i32
    %dma_wait3A_601 = arith.constant 0 : i32
    %dma_wait3A_602 = arith.constant 0 : i32
    %dma_wait3A_603 = arith.constant 0 : i32
    %dma_wait3A_604 = tpu.memref_slice %arg6[%dma_wait3A_600, %dma_wait3A_601, %dma_wait3A_602, %dma_wait3A_603] : memref<4x32x26x32xf32, #tpu.memory_space<vmem>> -> memref<1x32x26x32xf32, #tpu.memory_space<vmem>>
    %dma_wait3A_605 = tpu.memref_squeeze %dma_wait3A_604 : memref<1x32x26x32xf32, #tpu.memory_space<vmem>> -> memref<32x26x32xf32, #tpu.memory_space<vmem>>
    %dma_wait3A_606 = arith.constant 0 : i32
    %dma_wait3A_607 = arith.constant 0 : i32
    %dma_wait3A_608 = arith.constant 0 : i32
    %dma_wait3A_609 = tpu.memref_slice %arg4[%dma_wait3A_606, %dma_wait3A_607, %dma_wait3A_608] : memref<16384x26x32xf32, #tpu.memory_space<hbm>> -> memref<32x26x32xf32, #tpu.memory_space<hbm>>
    %dma_wait3A_610 = arith.constant 0 : i32
    %dma_wait3A_611 = arith.constant 0 : i32
    %dma_wait3A_612 = arith.constant 0 : i32
    %dma_wait3A_613 = tpu.memref_slice %arg6[%dma_wait3A_600, %dma_wait3A_610, %dma_wait3A_611, %dma_wait3A_612] : memref<4x32x26x32xf32, #tpu.memory_space<vmem>> -> memref<1x32x26x32xf32, #tpu.memory_space<vmem>>
    %dma_wait3A_614 = tpu.memref_squeeze %dma_wait3A_613 : memref<1x32x26x32xf32, #tpu.memory_space<vmem>> -> memref<32x26x32xf32, #tpu.memory_space<vmem>>
    %dma_wait3A_615 = arith.constant 0 : i32
    %dma_wait3A_616 = arith.constant 0 : i32
    %dma_wait3A_617 = arith.constant 0 : i32
    %dma_wait3A_618 = tpu.memref_slice %arg4[%dma_wait3A_615, %dma_wait3A_616, %dma_wait3A_617] : memref<16384x26x32xf32, #tpu.memory_space<hbm>> -> memref<32x26x32xf32, #tpu.memory_space<hbm>>
    tpu.wait_dma2 semaphore(%arg7 : memref<!tpu.dma_semaphore, #tpu.memory_space<semaphore_mem>>) src(%dma_wait3A_618 : memref<32x26x32xf32, #tpu.memory_space<hbm>>) dst(%dma_wait3A_614 : memref<32x26x32xf32, #tpu.memory_space<vmem>>)
    %dma_wait3A_619 = arith.constant 0 : i32
    %dma_wait3A_620 = arith.constant 0 : i32
    %dma_wait3A_621 = arith.constant 0 : i32
    %dma_wait3A_622 = arith.constant 0 : i32
    %dma_wait3A_623 = tpu.memref_slice %arg6[%dma_wait3A_619, %dma_wait3A_620, %dma_wait3A_621, %dma_wait3A_622] : memref<4x32x26x32xf32, #tpu.memory_space<vmem>> -> memref<1x32x26x32xf32, #tpu.memory_space<vmem>>
    %dma_wait3A_624 = tpu.memref_squeeze %dma_wait3A_623 : memref<1x32x26x32xf32, #tpu.memory_space<vmem>> -> memref<32x26x32xf32, #tpu.memory_space<vmem>>
    %dma_wait3A_625 = arith.constant 0 : i32
    %dma_wait3A_626 = arith.constant 0 : i32
    %dma_wait3A_627 = tpu.memref_slice %arg4[%add3A_520, %dma_wait3A_625, %dma_wait3A_626] : memref<16384x26x32xf32, #tpu.memory_space<hbm>> -> memref<32x26x32xf32, #tpu.memory_space<hbm>>
    %dma_wait3A_628 = arith.constant 0 : i32
    %dma_wait3A_629 = arith.constant 0 : i32
    %dma_wait3A_630 = tpu.memref_slice %arg4[%add3A_520, %dma_wait3A_628, %dma_wait3A_629] : memref<16384x26x32xf32, #tpu.memory_space<hbm>> -> memref<32x26x32xf32, #tpu.memory_space<hbm>>
    %dma_wait3A_631 = arith.constant 0 : i32
    %dma_wait3A_632 = arith.constant 0 : i32
    %dma_wait3A_633 = arith.constant 0 : i32
    %dma_wait3A_634 = tpu.memref_slice %arg6[%dma_wait3A_619, %dma_wait3A_631, %dma_wait3A_632, %dma_wait3A_633] : memref<4x32x26x32xf32, #tpu.memory_space<vmem>> -> memref<1x32x26x32xf32, #tpu.memory_space<vmem>>
    %dma_wait3A_635 = tpu.memref_squeeze %dma_wait3A_634 : memref<1x32x26x32xf32, #tpu.memory_space<vmem>> -> memref<32x26x32xf32, #tpu.memory_space<vmem>>
    tpu.wait_dma2 semaphore(%arg8 : memref<!tpu.dma_semaphore, #tpu.memory_space<semaphore_mem>>) src(%dma_wait3A_635 : memref<32x26x32xf32, #tpu.memory_space<vmem>>) dst(%dma_wait3A_630 : memref<32x26x32xf32, #tpu.memory_space<hbm>>)
    %scan3A_636 = arith.constant 0 : i32
    %scan3A_637 = arith.constant 0 : i32
    %scan3A_638 = arith.constant 32 : i32
    %scan3A_639 = arith.addi %scan3A_637, %scan3A_638 : i32
    %scan3A_640 = arith.constant 1 : i32
    %scan3A_641 = scf.for %scan3A_992 = %scan3A_637 to %scan3A_639 step %scan3A_640 iter_args(%scan3A_993 = %scan3A_636) -> (i32)  : i32 {
      %add3A_994 = arith.constant 384 : i32
      %add3A_995 = arith.addi %add3A_994, %scan3A_992 : i32
      %dma_start3A_996 = arith.constant 0 : i32
      %dma_start3A_997 = arith.constant 0 : i32
      %dma_start3A_998 = arith.constant 0 : i32
      %dma_start3A_999 = tpu.memref_slice %arg6[%dma_start3A_996, %scan3A_992, %dma_start3A_997, %dma_start3A_998] : memref<4x32x26x32xf32, #tpu.memory_space<vmem>> -> memref<1x1x26x32xf32, #tpu.memory_space<vmem>>
      %dma_start3A_1000 = tpu.memref_squeeze %dma_start3A_999 : memref<1x1x26x32xf32, #tpu.memory_space<vmem>> -> memref<26x32xf32, #tpu.memory_space<vmem>>
      %dma_start3A_1001 = arith.constant 0 : i32
      %dma_start3A_1002 = tpu.memref_slice %arg5[%add3A_995, %dma_start3A_1001] : memref<512x26xi32, #tpu.memory_space<vmem>> -> memref<1x26xi32, #tpu.memory_space<vmem>>
      %dma_start3A_1003 = tpu.memref_squeeze %dma_start3A_1002 : memref<1x26xi32, #tpu.memory_space<vmem>> -> memref<26xi32, #tpu.memory_space<vmem>>
      %dma_start3A_1004 = arith.constant 0 : i32
      %dma_start3A_1005 = arith.constant 0 : i32
      %dma_start3A_1006 = tpu.memref_slice %arg2[%dma_start3A_1004, %dma_start3A_1005] : memref<1000000x32xf32, #tpu.memory_space<hbm>> -> memref<1000000x32xf32, #tpu.memory_space<hbm>>
      tpu.enqueue_indirect_dma source(%dma_start3A_1006 : memref<1000000x32xf32, #tpu.memory_space<hbm>>) target(%dma_start3A_1000 : memref<26x32xf32, #tpu.memory_space<vmem>>) offsets(%dma_start3A_1003 : memref<26xi32, #tpu.memory_space<vmem>>) semaphore(%arg7 : memref<!tpu.dma_semaphore, #tpu.memory_space<semaphore_mem>>)
      %scan3A_1007 = arith.constant 0 : i32
      scf.yield %scan3A_1007 : i32
    }
    %scan3A_642 = arith.constant 32 : i32
    %add3A_643 = arith.constant 320 : i32
    %add3A_644 = arith.addi %mul3A_2, %add3A_643 : i32
    %dma_start3A_645 = arith.constant 2 : i32
    %dma_start3A_646 = arith.constant 0 : i32
    %dma_start3A_647 = arith.constant 0 : i32
    %dma_start3A_648 = arith.constant 0 : i32
    %dma_start3A_649 = tpu.memref_slice %arg6[%dma_start3A_645, %dma_start3A_646, %dma_start3A_647, %dma_start3A_648] : memref<4x32x26x32xf32, #tpu.memory_space<vmem>> -> memref<1x32x26x32xf32, #tpu.memory_space<vmem>>
    %dma_start3A_650 = tpu.memref_squeeze %dma_start3A_649 : memref<1x32x26x32xf32, #tpu.memory_space<vmem>> -> memref<32x26x32xf32, #tpu.memory_space<vmem>>
    %dma_start3A_651 = arith.constant 0 : i32
    %dma_start3A_652 = arith.constant 0 : i32
    %dma_start3A_653 = tpu.memref_slice %arg4[%add3A_644, %dma_start3A_651, %dma_start3A_652] : memref<16384x26x32xf32, #tpu.memory_space<hbm>> -> memref<32x26x32xf32, #tpu.memory_space<hbm>>
    %dma_start3A_654 = arith.constant 0 : i32
    %dma_start3A_655 = arith.constant 0 : i32
    %dma_start3A_656 = tpu.memref_slice %arg4[%add3A_644, %dma_start3A_654, %dma_start3A_655] : memref<16384x26x32xf32, #tpu.memory_space<hbm>> -> memref<32x26x32xf32, #tpu.memory_space<hbm>>
    %dma_start3A_657 = arith.constant 0 : i32
    %dma_start3A_658 = arith.constant 0 : i32
    %dma_start3A_659 = arith.constant 0 : i32
    %dma_start3A_660 = tpu.memref_slice %arg6[%dma_start3A_645, %dma_start3A_657, %dma_start3A_658, %dma_start3A_659] : memref<4x32x26x32xf32, #tpu.memory_space<vmem>> -> memref<1x32x26x32xf32, #tpu.memory_space<vmem>>
    %dma_start3A_661 = tpu.memref_squeeze %dma_start3A_660 : memref<1x32x26x32xf32, #tpu.memory_space<vmem>> -> memref<32x26x32xf32, #tpu.memory_space<vmem>>
    tpu.enqueue_dma source(%dma_start3A_661 : memref<32x26x32xf32, #tpu.memory_space<vmem>>) target(%dma_start3A_656 : memref<32x26x32xf32, #tpu.memory_space<hbm>>) target_semaphore(%arg8 : memref<!tpu.dma_semaphore, #tpu.memory_space<semaphore_mem>>)
    %dma_wait3A_662 = arith.constant 3 : i32
    %dma_wait3A_663 = arith.constant 0 : i32
    %dma_wait3A_664 = arith.constant 0 : i32
    %dma_wait3A_665 = arith.constant 0 : i32
    %dma_wait3A_666 = tpu.memref_slice %arg6[%dma_wait3A_662, %dma_wait3A_663, %dma_wait3A_664, %dma_wait3A_665] : memref<4x32x26x32xf32, #tpu.memory_space<vmem>> -> memref<1x32x26x32xf32, #tpu.memory_space<vmem>>
    %dma_wait3A_667 = tpu.memref_squeeze %dma_wait3A_666 : memref<1x32x26x32xf32, #tpu.memory_space<vmem>> -> memref<32x26x32xf32, #tpu.memory_space<vmem>>
    %dma_wait3A_668 = arith.constant 0 : i32
    %dma_wait3A_669 = arith.constant 0 : i32
    %dma_wait3A_670 = arith.constant 0 : i32
    %dma_wait3A_671 = tpu.memref_slice %arg4[%dma_wait3A_668, %dma_wait3A_669, %dma_wait3A_670] : memref<16384x26x32xf32, #tpu.memory_space<hbm>> -> memref<32x26x32xf32, #tpu.memory_space<hbm>>
    %dma_wait3A_672 = arith.constant 0 : i32
    %dma_wait3A_673 = arith.constant 0 : i32
    %dma_wait3A_674 = arith.constant 0 : i32
    %dma_wait3A_675 = tpu.memref_slice %arg6[%dma_wait3A_662, %dma_wait3A_672, %dma_wait3A_673, %dma_wait3A_674] : memref<4x32x26x32xf32, #tpu.memory_space<vmem>> -> memref<1x32x26x32xf32, #tpu.memory_space<vmem>>
    %dma_wait3A_676 = tpu.memref_squeeze %dma_wait3A_675 : memref<1x32x26x32xf32, #tpu.memory_space<vmem>> -> memref<32x26x32xf32, #tpu.memory_space<vmem>>
    %dma_wait3A_677 = arith.constant 0 : i32
    %dma_wait3A_678 = arith.constant 0 : i32
    %dma_wait3A_679 = arith.constant 0 : i32
    %dma_wait3A_680 = tpu.memref_slice %arg4[%dma_wait3A_677, %dma_wait3A_678, %dma_wait3A_679] : memref<16384x26x32xf32, #tpu.memory_space<hbm>> -> memref<32x26x32xf32, #tpu.memory_space<hbm>>
    tpu.wait_dma2 semaphore(%arg7 : memref<!tpu.dma_semaphore, #tpu.memory_space<semaphore_mem>>) src(%dma_wait3A_680 : memref<32x26x32xf32, #tpu.memory_space<hbm>>) dst(%dma_wait3A_676 : memref<32x26x32xf32, #tpu.memory_space<vmem>>)
    %dma_wait3A_681 = arith.constant 1 : i32
    %dma_wait3A_682 = arith.constant 0 : i32
    %dma_wait3A_683 = arith.constant 0 : i32
    %dma_wait3A_684 = arith.constant 0 : i32
    %dma_wait3A_685 = tpu.memref_slice %arg6[%dma_wait3A_681, %dma_wait3A_682, %dma_wait3A_683, %dma_wait3A_684] : memref<4x32x26x32xf32, #tpu.memory_space<vmem>> -> memref<1x32x26x32xf32, #tpu.memory_space<vmem>>
    %dma_wait3A_686 = tpu.memref_squeeze %dma_wait3A_685 : memref<1x32x26x32xf32, #tpu.memory_space<vmem>> -> memref<32x26x32xf32, #tpu.memory_space<vmem>>
    %dma_wait3A_687 = arith.constant 0 : i32
    %dma_wait3A_688 = arith.constant 0 : i32
    %dma_wait3A_689 = tpu.memref_slice %arg4[%add3A_582, %dma_wait3A_687, %dma_wait3A_688] : memref<16384x26x32xf32, #tpu.memory_space<hbm>> -> memref<32x26x32xf32, #tpu.memory_space<hbm>>
    %dma_wait3A_690 = arith.constant 0 : i32
    %dma_wait3A_691 = arith.constant 0 : i32
    %dma_wait3A_692 = tpu.memref_slice %arg4[%add3A_582, %dma_wait3A_690, %dma_wait3A_691] : memref<16384x26x32xf32, #tpu.memory_space<hbm>> -> memref<32x26x32xf32, #tpu.memory_space<hbm>>
    %dma_wait3A_693 = arith.constant 0 : i32
    %dma_wait3A_694 = arith.constant 0 : i32
    %dma_wait3A_695 = arith.constant 0 : i32
    %dma_wait3A_696 = tpu.memref_slice %arg6[%dma_wait3A_681, %dma_wait3A_693, %dma_wait3A_694, %dma_wait3A_695] : memref<4x32x26x32xf32, #tpu.memory_space<vmem>> -> memref<1x32x26x32xf32, #tpu.memory_space<vmem>>
    %dma_wait3A_697 = tpu.memref_squeeze %dma_wait3A_696 : memref<1x32x26x32xf32, #tpu.memory_space<vmem>> -> memref<32x26x32xf32, #tpu.memory_space<vmem>>
    tpu.wait_dma2 semaphore(%arg8 : memref<!tpu.dma_semaphore, #tpu.memory_space<semaphore_mem>>) src(%dma_wait3A_697 : memref<32x26x32xf32, #tpu.memory_space<vmem>>) dst(%dma_wait3A_692 : memref<32x26x32xf32, #tpu.memory_space<hbm>>)
    %scan3A_698 = arith.constant 0 : i32
    %scan3A_699 = arith.constant 0 : i32
    %scan3A_700 = arith.constant 32 : i32
    %scan3A_701 = arith.addi %scan3A_699, %scan3A_700 : i32
    %scan3A_702 = arith.constant 1 : i32
    %scan3A_703 = scf.for %scan3A_992 = %scan3A_699 to %scan3A_701 step %scan3A_702 iter_args(%scan3A_993 = %scan3A_698) -> (i32)  : i32 {
      %add3A_994 = arith.constant 416 : i32
      %add3A_995 = arith.addi %add3A_994, %scan3A_992 : i32
      %dma_start3A_996 = arith.constant 1 : i32
      %dma_start3A_997 = arith.constant 0 : i32
      %dma_start3A_998 = arith.constant 0 : i32
      %dma_start3A_999 = tpu.memref_slice %arg6[%dma_start3A_996, %scan3A_992, %dma_start3A_997, %dma_start3A_998] : memref<4x32x26x32xf32, #tpu.memory_space<vmem>> -> memref<1x1x26x32xf32, #tpu.memory_space<vmem>>
      %dma_start3A_1000 = tpu.memref_squeeze %dma_start3A_999 : memref<1x1x26x32xf32, #tpu.memory_space<vmem>> -> memref<26x32xf32, #tpu.memory_space<vmem>>
      %dma_start3A_1001 = arith.constant 0 : i32
      %dma_start3A_1002 = tpu.memref_slice %arg5[%add3A_995, %dma_start3A_1001] : memref<512x26xi32, #tpu.memory_space<vmem>> -> memref<1x26xi32, #tpu.memory_space<vmem>>
      %dma_start3A_1003 = tpu.memref_squeeze %dma_start3A_1002 : memref<1x26xi32, #tpu.memory_space<vmem>> -> memref<26xi32, #tpu.memory_space<vmem>>
      %dma_start3A_1004 = arith.constant 0 : i32
      %dma_start3A_1005 = arith.constant 0 : i32
      %dma_start3A_1006 = tpu.memref_slice %arg2[%dma_start3A_1004, %dma_start3A_1005] : memref<1000000x32xf32, #tpu.memory_space<hbm>> -> memref<1000000x32xf32, #tpu.memory_space<hbm>>
      tpu.enqueue_indirect_dma source(%dma_start3A_1006 : memref<1000000x32xf32, #tpu.memory_space<hbm>>) target(%dma_start3A_1000 : memref<26x32xf32, #tpu.memory_space<vmem>>) offsets(%dma_start3A_1003 : memref<26xi32, #tpu.memory_space<vmem>>) semaphore(%arg7 : memref<!tpu.dma_semaphore, #tpu.memory_space<semaphore_mem>>)
      %scan3A_1007 = arith.constant 0 : i32
      scf.yield %scan3A_1007 : i32
    }
    %scan3A_704 = arith.constant 32 : i32
    %add3A_705 = arith.constant 352 : i32
    %add3A_706 = arith.addi %mul3A_2, %add3A_705 : i32
    %dma_start3A_707 = arith.constant 3 : i32
    %dma_start3A_708 = arith.constant 0 : i32
    %dma_start3A_709 = arith.constant 0 : i32
    %dma_start3A_710 = arith.constant 0 : i32
    %dma_start3A_711 = tpu.memref_slice %arg6[%dma_start3A_707, %dma_start3A_708, %dma_start3A_709, %dma_start3A_710] : memref<4x32x26x32xf32, #tpu.memory_space<vmem>> -> memref<1x32x26x32xf32, #tpu.memory_space<vmem>>
    %dma_start3A_712 = tpu.memref_squeeze %dma_start3A_711 : memref<1x32x26x32xf32, #tpu.memory_space<vmem>> -> memref<32x26x32xf32, #tpu.memory_space<vmem>>
    %dma_start3A_713 = arith.constant 0 : i32
    %dma_start3A_714 = arith.constant 0 : i32
    %dma_start3A_715 = tpu.memref_slice %arg4[%add3A_706, %dma_start3A_713, %dma_start3A_714] : memref<16384x26x32xf32, #tpu.memory_space<hbm>> -> memref<32x26x32xf32, #tpu.memory_space<hbm>>
    %dma_start3A_716 = arith.constant 0 : i32
    %dma_start3A_717 = arith.constant 0 : i32
    %dma_start3A_718 = tpu.memref_slice %arg4[%add3A_706, %dma_start3A_716, %dma_start3A_717] : memref<16384x26x32xf32, #tpu.memory_space<hbm>> -> memref<32x26x32xf32, #tpu.memory_space<hbm>>
    %dma_start3A_719 = arith.constant 0 : i32
    %dma_start3A_720 = arith.constant 0 : i32
    %dma_start3A_721 = arith.constant 0 : i32
    %dma_start3A_722 = tpu.memref_slice %arg6[%dma_start3A_707, %dma_start3A_719, %dma_start3A_720, %dma_start3A_721] : memref<4x32x26x32xf32, #tpu.memory_space<vmem>> -> memref<1x32x26x32xf32, #tpu.memory_space<vmem>>
    %dma_start3A_723 = tpu.memref_squeeze %dma_start3A_722 : memref<1x32x26x32xf32, #tpu.memory_space<vmem>> -> memref<32x26x32xf32, #tpu.memory_space<vmem>>
    tpu.enqueue_dma source(%dma_start3A_723 : memref<32x26x32xf32, #tpu.memory_space<vmem>>) target(%dma_start3A_718 : memref<32x26x32xf32, #tpu.memory_space<hbm>>) target_semaphore(%arg8 : memref<!tpu.dma_semaphore, #tpu.memory_space<semaphore_mem>>)
    %dma_wait3A_724 = arith.constant 0 : i32
    %dma_wait3A_725 = arith.constant 0 : i32
    %dma_wait3A_726 = arith.constant 0 : i32
    %dma_wait3A_727 = arith.constant 0 : i32
    %dma_wait3A_728 = tpu.memref_slice %arg6[%dma_wait3A_724, %dma_wait3A_725, %dma_wait3A_726, %dma_wait3A_727] : memref<4x32x26x32xf32, #tpu.memory_space<vmem>> -> memref<1x32x26x32xf32, #tpu.memory_space<vmem>>
    %dma_wait3A_729 = tpu.memref_squeeze %dma_wait3A_728 : memref<1x32x26x32xf32, #tpu.memory_space<vmem>> -> memref<32x26x32xf32, #tpu.memory_space<vmem>>
    %dma_wait3A_730 = arith.constant 0 : i32
    %dma_wait3A_731 = arith.constant 0 : i32
    %dma_wait3A_732 = arith.constant 0 : i32
    %dma_wait3A_733 = tpu.memref_slice %arg4[%dma_wait3A_730, %dma_wait3A_731, %dma_wait3A_732] : memref<16384x26x32xf32, #tpu.memory_space<hbm>> -> memref<32x26x32xf32, #tpu.memory_space<hbm>>
    %dma_wait3A_734 = arith.constant 0 : i32
    %dma_wait3A_735 = arith.constant 0 : i32
    %dma_wait3A_736 = arith.constant 0 : i32
    %dma_wait3A_737 = tpu.memref_slice %arg6[%dma_wait3A_724, %dma_wait3A_734, %dma_wait3A_735, %dma_wait3A_736] : memref<4x32x26x32xf32, #tpu.memory_space<vmem>> -> memref<1x32x26x32xf32, #tpu.memory_space<vmem>>
    %dma_wait3A_738 = tpu.memref_squeeze %dma_wait3A_737 : memref<1x32x26x32xf32, #tpu.memory_space<vmem>> -> memref<32x26x32xf32, #tpu.memory_space<vmem>>
    %dma_wait3A_739 = arith.constant 0 : i32
    %dma_wait3A_740 = arith.constant 0 : i32
    %dma_wait3A_741 = arith.constant 0 : i32
    %dma_wait3A_742 = tpu.memref_slice %arg4[%dma_wait3A_739, %dma_wait3A_740, %dma_wait3A_741] : memref<16384x26x32xf32, #tpu.memory_space<hbm>> -> memref<32x26x32xf32, #tpu.memory_space<hbm>>
    tpu.wait_dma2 semaphore(%arg7 : memref<!tpu.dma_semaphore, #tpu.memory_space<semaphore_mem>>) src(%dma_wait3A_742 : memref<32x26x32xf32, #tpu.memory_space<hbm>>) dst(%dma_wait3A_738 : memref<32x26x32xf32, #tpu.memory_space<vmem>>)
    %dma_wait3A_743 = arith.constant 2 : i32
    %dma_wait3A_744 = arith.constant 0 : i32
    %dma_wait3A_745 = arith.constant 0 : i32
    %dma_wait3A_746 = arith.constant 0 : i32
    %dma_wait3A_747 = tpu.memref_slice %arg6[%dma_wait3A_743, %dma_wait3A_744, %dma_wait3A_745, %dma_wait3A_746] : memref<4x32x26x32xf32, #tpu.memory_space<vmem>> -> memref<1x32x26x32xf32, #tpu.memory_space<vmem>>
    %dma_wait3A_748 = tpu.memref_squeeze %dma_wait3A_747 : memref<1x32x26x32xf32, #tpu.memory_space<vmem>> -> memref<32x26x32xf32, #tpu.memory_space<vmem>>
    %dma_wait3A_749 = arith.constant 0 : i32
    %dma_wait3A_750 = arith.constant 0 : i32
    %dma_wait3A_751 = tpu.memref_slice %arg4[%add3A_644, %dma_wait3A_749, %dma_wait3A_750] : memref<16384x26x32xf32, #tpu.memory_space<hbm>> -> memref<32x26x32xf32, #tpu.memory_space<hbm>>
    %dma_wait3A_752 = arith.constant 0 : i32
    %dma_wait3A_753 = arith.constant 0 : i32
    %dma_wait3A_754 = tpu.memref_slice %arg4[%add3A_644, %dma_wait3A_752, %dma_wait3A_753] : memref<16384x26x32xf32, #tpu.memory_space<hbm>> -> memref<32x26x32xf32, #tpu.memory_space<hbm>>
    %dma_wait3A_755 = arith.constant 0 : i32
    %dma_wait3A_756 = arith.constant 0 : i32
    %dma_wait3A_757 = arith.constant 0 : i32
    %dma_wait3A_758 = tpu.memref_slice %arg6[%dma_wait3A_743, %dma_wait3A_755, %dma_wait3A_756, %dma_wait3A_757] : memref<4x32x26x32xf32, #tpu.memory_space<vmem>> -> memref<1x32x26x32xf32, #tpu.memory_space<vmem>>
    %dma_wait3A_759 = tpu.memref_squeeze %dma_wait3A_758 : memref<1x32x26x32xf32, #tpu.memory_space<vmem>> -> memref<32x26x32xf32, #tpu.memory_space<vmem>>
    tpu.wait_dma2 semaphore(%arg8 : memref<!tpu.dma_semaphore, #tpu.memory_space<semaphore_mem>>) src(%dma_wait3A_759 : memref<32x26x32xf32, #tpu.memory_space<vmem>>) dst(%dma_wait3A_754 : memref<32x26x32xf32, #tpu.memory_space<hbm>>)
    %scan3A_760 = arith.constant 0 : i32
    %scan3A_761 = arith.constant 0 : i32
    %scan3A_762 = arith.constant 32 : i32
    %scan3A_763 = arith.addi %scan3A_761, %scan3A_762 : i32
    %scan3A_764 = arith.constant 1 : i32
    %scan3A_765 = scf.for %scan3A_992 = %scan3A_761 to %scan3A_763 step %scan3A_764 iter_args(%scan3A_993 = %scan3A_760) -> (i32)  : i32 {
      %add3A_994 = arith.constant 448 : i32
      %add3A_995 = arith.addi %add3A_994, %scan3A_992 : i32
      %dma_start3A_996 = arith.constant 2 : i32
      %dma_start3A_997 = arith.constant 0 : i32
      %dma_start3A_998 = arith.constant 0 : i32
      %dma_start3A_999 = tpu.memref_slice %arg6[%dma_start3A_996, %scan3A_992, %dma_start3A_997, %dma_start3A_998] : memref<4x32x26x32xf32, #tpu.memory_space<vmem>> -> memref<1x1x26x32xf32, #tpu.memory_space<vmem>>
      %dma_start3A_1000 = tpu.memref_squeeze %dma_start3A_999 : memref<1x1x26x32xf32, #tpu.memory_space<vmem>> -> memref<26x32xf32, #tpu.memory_space<vmem>>
      %dma_start3A_1001 = arith.constant 0 : i32
      %dma_start3A_1002 = tpu.memref_slice %arg5[%add3A_995, %dma_start3A_1001] : memref<512x26xi32, #tpu.memory_space<vmem>> -> memref<1x26xi32, #tpu.memory_space<vmem>>
      %dma_start3A_1003 = tpu.memref_squeeze %dma_start3A_1002 : memref<1x26xi32, #tpu.memory_space<vmem>> -> memref<26xi32, #tpu.memory_space<vmem>>
      %dma_start3A_1004 = arith.constant 0 : i32
      %dma_start3A_1005 = arith.constant 0 : i32
      %dma_start3A_1006 = tpu.memref_slice %arg2[%dma_start3A_1004, %dma_start3A_1005] : memref<1000000x32xf32, #tpu.memory_space<hbm>> -> memref<1000000x32xf32, #tpu.memory_space<hbm>>
      tpu.enqueue_indirect_dma source(%dma_start3A_1006 : memref<1000000x32xf32, #tpu.memory_space<hbm>>) target(%dma_start3A_1000 : memref<26x32xf32, #tpu.memory_space<vmem>>) offsets(%dma_start3A_1003 : memref<26xi32, #tpu.memory_space<vmem>>) semaphore(%arg7 : memref<!tpu.dma_semaphore, #tpu.memory_space<semaphore_mem>>)
      %scan3A_1007 = arith.constant 0 : i32
      scf.yield %scan3A_1007 : i32
    }
    %scan3A_766 = arith.constant 32 : i32
    %add3A_767 = arith.constant 384 : i32
    %add3A_768 = arith.addi %mul3A_2, %add3A_767 : i32
    %dma_start3A_769 = arith.constant 0 : i32
    %dma_start3A_770 = arith.constant 0 : i32
    %dma_start3A_771 = arith.constant 0 : i32
    %dma_start3A_772 = arith.constant 0 : i32
    %dma_start3A_773 = tpu.memref_slice %arg6[%dma_start3A_769, %dma_start3A_770, %dma_start3A_771, %dma_start3A_772] : memref<4x32x26x32xf32, #tpu.memory_space<vmem>> -> memref<1x32x26x32xf32, #tpu.memory_space<vmem>>
    %dma_start3A_774 = tpu.memref_squeeze %dma_start3A_773 : memref<1x32x26x32xf32, #tpu.memory_space<vmem>> -> memref<32x26x32xf32, #tpu.memory_space<vmem>>
    %dma_start3A_775 = arith.constant 0 : i32
    %dma_start3A_776 = arith.constant 0 : i32
    %dma_start3A_777 = tpu.memref_slice %arg4[%add3A_768, %dma_start3A_775, %dma_start3A_776] : memref<16384x26x32xf32, #tpu.memory_space<hbm>> -> memref<32x26x32xf32, #tpu.memory_space<hbm>>
    %dma_start3A_778 = arith.constant 0 : i32
    %dma_start3A_779 = arith.constant 0 : i32
    %dma_start3A_780 = tpu.memref_slice %arg4[%add3A_768, %dma_start3A_778, %dma_start3A_779] : memref<16384x26x32xf32, #tpu.memory_space<hbm>> -> memref<32x26x32xf32, #tpu.memory_space<hbm>>
    %dma_start3A_781 = arith.constant 0 : i32
    %dma_start3A_782 = arith.constant 0 : i32
    %dma_start3A_783 = arith.constant 0 : i32
    %dma_start3A_784 = tpu.memref_slice %arg6[%dma_start3A_769, %dma_start3A_781, %dma_start3A_782, %dma_start3A_783] : memref<4x32x26x32xf32, #tpu.memory_space<vmem>> -> memref<1x32x26x32xf32, #tpu.memory_space<vmem>>
    %dma_start3A_785 = tpu.memref_squeeze %dma_start3A_784 : memref<1x32x26x32xf32, #tpu.memory_space<vmem>> -> memref<32x26x32xf32, #tpu.memory_space<vmem>>
    tpu.enqueue_dma source(%dma_start3A_785 : memref<32x26x32xf32, #tpu.memory_space<vmem>>) target(%dma_start3A_780 : memref<32x26x32xf32, #tpu.memory_space<hbm>>) target_semaphore(%arg8 : memref<!tpu.dma_semaphore, #tpu.memory_space<semaphore_mem>>)
    %dma_wait3A_786 = arith.constant 1 : i32
    %dma_wait3A_787 = arith.constant 0 : i32
    %dma_wait3A_788 = arith.constant 0 : i32
    %dma_wait3A_789 = arith.constant 0 : i32
    %dma_wait3A_790 = tpu.memref_slice %arg6[%dma_wait3A_786, %dma_wait3A_787, %dma_wait3A_788, %dma_wait3A_789] : memref<4x32x26x32xf32, #tpu.memory_space<vmem>> -> memref<1x32x26x32xf32, #tpu.memory_space<vmem>>
    %dma_wait3A_791 = tpu.memref_squeeze %dma_wait3A_790 : memref<1x32x26x32xf32, #tpu.memory_space<vmem>> -> memref<32x26x32xf32, #tpu.memory_space<vmem>>
    %dma_wait3A_792 = arith.constant 0 : i32
    %dma_wait3A_793 = arith.constant 0 : i32
    %dma_wait3A_794 = arith.constant 0 : i32
    %dma_wait3A_795 = tpu.memref_slice %arg4[%dma_wait3A_792, %dma_wait3A_793, %dma_wait3A_794] : memref<16384x26x32xf32, #tpu.memory_space<hbm>> -> memref<32x26x32xf32, #tpu.memory_space<hbm>>
    %dma_wait3A_796 = arith.constant 0 : i32
    %dma_wait3A_797 = arith.constant 0 : i32
    %dma_wait3A_798 = arith.constant 0 : i32
    %dma_wait3A_799 = tpu.memref_slice %arg6[%dma_wait3A_786, %dma_wait3A_796, %dma_wait3A_797, %dma_wait3A_798] : memref<4x32x26x32xf32, #tpu.memory_space<vmem>> -> memref<1x32x26x32xf32, #tpu.memory_space<vmem>>
    %dma_wait3A_800 = tpu.memref_squeeze %dma_wait3A_799 : memref<1x32x26x32xf32, #tpu.memory_space<vmem>> -> memref<32x26x32xf32, #tpu.memory_space<vmem>>
    %dma_wait3A_801 = arith.constant 0 : i32
    %dma_wait3A_802 = arith.constant 0 : i32
    %dma_wait3A_803 = arith.constant 0 : i32
    %dma_wait3A_804 = tpu.memref_slice %arg4[%dma_wait3A_801, %dma_wait3A_802, %dma_wait3A_803] : memref<16384x26x32xf32, #tpu.memory_space<hbm>> -> memref<32x26x32xf32, #tpu.memory_space<hbm>>
    tpu.wait_dma2 semaphore(%arg7 : memref<!tpu.dma_semaphore, #tpu.memory_space<semaphore_mem>>) src(%dma_wait3A_804 : memref<32x26x32xf32, #tpu.memory_space<hbm>>) dst(%dma_wait3A_800 : memref<32x26x32xf32, #tpu.memory_space<vmem>>)
    %dma_wait3A_805 = arith.constant 3 : i32
    %dma_wait3A_806 = arith.constant 0 : i32
    %dma_wait3A_807 = arith.constant 0 : i32
    %dma_wait3A_808 = arith.constant 0 : i32
    %dma_wait3A_809 = tpu.memref_slice %arg6[%dma_wait3A_805, %dma_wait3A_806, %dma_wait3A_807, %dma_wait3A_808] : memref<4x32x26x32xf32, #tpu.memory_space<vmem>> -> memref<1x32x26x32xf32, #tpu.memory_space<vmem>>
    %dma_wait3A_810 = tpu.memref_squeeze %dma_wait3A_809 : memref<1x32x26x32xf32, #tpu.memory_space<vmem>> -> memref<32x26x32xf32, #tpu.memory_space<vmem>>
    %dma_wait3A_811 = arith.constant 0 : i32
    %dma_wait3A_812 = arith.constant 0 : i32
    %dma_wait3A_813 = tpu.memref_slice %arg4[%add3A_706, %dma_wait3A_811, %dma_wait3A_812] : memref<16384x26x32xf32, #tpu.memory_space<hbm>> -> memref<32x26x32xf32, #tpu.memory_space<hbm>>
    %dma_wait3A_814 = arith.constant 0 : i32
    %dma_wait3A_815 = arith.constant 0 : i32
    %dma_wait3A_816 = tpu.memref_slice %arg4[%add3A_706, %dma_wait3A_814, %dma_wait3A_815] : memref<16384x26x32xf32, #tpu.memory_space<hbm>> -> memref<32x26x32xf32, #tpu.memory_space<hbm>>
    %dma_wait3A_817 = arith.constant 0 : i32
    %dma_wait3A_818 = arith.constant 0 : i32
    %dma_wait3A_819 = arith.constant 0 : i32
    %dma_wait3A_820 = tpu.memref_slice %arg6[%dma_wait3A_805, %dma_wait3A_817, %dma_wait3A_818, %dma_wait3A_819] : memref<4x32x26x32xf32, #tpu.memory_space<vmem>> -> memref<1x32x26x32xf32, #tpu.memory_space<vmem>>
    %dma_wait3A_821 = tpu.memref_squeeze %dma_wait3A_820 : memref<1x32x26x32xf32, #tpu.memory_space<vmem>> -> memref<32x26x32xf32, #tpu.memory_space<vmem>>
    tpu.wait_dma2 semaphore(%arg8 : memref<!tpu.dma_semaphore, #tpu.memory_space<semaphore_mem>>) src(%dma_wait3A_821 : memref<32x26x32xf32, #tpu.memory_space<vmem>>) dst(%dma_wait3A_816 : memref<32x26x32xf32, #tpu.memory_space<hbm>>)
    %scan3A_822 = arith.constant 0 : i32
    %scan3A_823 = arith.constant 0 : i32
    %scan3A_824 = arith.constant 32 : i32
    %scan3A_825 = arith.addi %scan3A_823, %scan3A_824 : i32
    %scan3A_826 = arith.constant 1 : i32
    %scan3A_827 = scf.for %scan3A_992 = %scan3A_823 to %scan3A_825 step %scan3A_826 iter_args(%scan3A_993 = %scan3A_822) -> (i32)  : i32 {
      %add3A_994 = arith.constant 480 : i32
      %add3A_995 = arith.addi %add3A_994, %scan3A_992 : i32
      %dma_start3A_996 = arith.constant 3 : i32
      %dma_start3A_997 = arith.constant 0 : i32
      %dma_start3A_998 = arith.constant 0 : i32
      %dma_start3A_999 = tpu.memref_slice %arg6[%dma_start3A_996, %scan3A_992, %dma_start3A_997, %dma_start3A_998] : memref<4x32x26x32xf32, #tpu.memory_space<vmem>> -> memref<1x1x26x32xf32, #tpu.memory_space<vmem>>
      %dma_start3A_1000 = tpu.memref_squeeze %dma_start3A_999 : memref<1x1x26x32xf32, #tpu.memory_space<vmem>> -> memref<26x32xf32, #tpu.memory_space<vmem>>
      %dma_start3A_1001 = arith.constant 0 : i32
      %dma_start3A_1002 = tpu.memref_slice %arg5[%add3A_995, %dma_start3A_1001] : memref<512x26xi32, #tpu.memory_space<vmem>> -> memref<1x26xi32, #tpu.memory_space<vmem>>
      %dma_start3A_1003 = tpu.memref_squeeze %dma_start3A_1002 : memref<1x26xi32, #tpu.memory_space<vmem>> -> memref<26xi32, #tpu.memory_space<vmem>>
      %dma_start3A_1004 = arith.constant 0 : i32
      %dma_start3A_1005 = arith.constant 0 : i32
      %dma_start3A_1006 = tpu.memref_slice %arg2[%dma_start3A_1004, %dma_start3A_1005] : memref<1000000x32xf32, #tpu.memory_space<hbm>> -> memref<1000000x32xf32, #tpu.memory_space<hbm>>
      tpu.enqueue_indirect_dma source(%dma_start3A_1006 : memref<1000000x32xf32, #tpu.memory_space<hbm>>) target(%dma_start3A_1000 : memref<26x32xf32, #tpu.memory_space<vmem>>) offsets(%dma_start3A_1003 : memref<26xi32, #tpu.memory_space<vmem>>) semaphore(%arg7 : memref<!tpu.dma_semaphore, #tpu.memory_space<semaphore_mem>>)
      %scan3A_1007 = arith.constant 0 : i32
      scf.yield %scan3A_1007 : i32
    }
    %scan3A_828 = arith.constant 32 : i32
    %add3A_829 = arith.constant 416 : i32
    %add3A_830 = arith.addi %mul3A_2, %add3A_829 : i32
    %dma_start3A_831 = arith.constant 1 : i32
    %dma_start3A_832 = arith.constant 0 : i32
    %dma_start3A_833 = arith.constant 0 : i32
    %dma_start3A_834 = arith.constant 0 : i32
    %dma_start3A_835 = tpu.memref_slice %arg6[%dma_start3A_831, %dma_start3A_832, %dma_start3A_833, %dma_start3A_834] : memref<4x32x26x32xf32, #tpu.memory_space<vmem>> -> memref<1x32x26x32xf32, #tpu.memory_space<vmem>>
    %dma_start3A_836 = tpu.memref_squeeze %dma_start3A_835 : memref<1x32x26x32xf32, #tpu.memory_space<vmem>> -> memref<32x26x32xf32, #tpu.memory_space<vmem>>
    %dma_start3A_837 = arith.constant 0 : i32
    %dma_start3A_838 = arith.constant 0 : i32
    %dma_start3A_839 = tpu.memref_slice %arg4[%add3A_830, %dma_start3A_837, %dma_start3A_838] : memref<16384x26x32xf32, #tpu.memory_space<hbm>> -> memref<32x26x32xf32, #tpu.memory_space<hbm>>
    %dma_start3A_840 = arith.constant 0 : i32
    %dma_start3A_841 = arith.constant 0 : i32
    %dma_start3A_842 = tpu.memref_slice %arg4[%add3A_830, %dma_start3A_840, %dma_start3A_841] : memref<16384x26x32xf32, #tpu.memory_space<hbm>> -> memref<32x26x32xf32, #tpu.memory_space<hbm>>
    %dma_start3A_843 = arith.constant 0 : i32
    %dma_start3A_844 = arith.constant 0 : i32
    %dma_start3A_845 = arith.constant 0 : i32
    %dma_start3A_846 = tpu.memref_slice %arg6[%dma_start3A_831, %dma_start3A_843, %dma_start3A_844, %dma_start3A_845] : memref<4x32x26x32xf32, #tpu.memory_space<vmem>> -> memref<1x32x26x32xf32, #tpu.memory_space<vmem>>
    %dma_start3A_847 = tpu.memref_squeeze %dma_start3A_846 : memref<1x32x26x32xf32, #tpu.memory_space<vmem>> -> memref<32x26x32xf32, #tpu.memory_space<vmem>>
    tpu.enqueue_dma source(%dma_start3A_847 : memref<32x26x32xf32, #tpu.memory_space<vmem>>) target(%dma_start3A_842 : memref<32x26x32xf32, #tpu.memory_space<hbm>>) target_semaphore(%arg8 : memref<!tpu.dma_semaphore, #tpu.memory_space<semaphore_mem>>)
    %dma_wait3A_848 = arith.constant 2 : i32
    %dma_wait3A_849 = arith.constant 0 : i32
    %dma_wait3A_850 = arith.constant 0 : i32
    %dma_wait3A_851 = arith.constant 0 : i32
    %dma_wait3A_852 = tpu.memref_slice %arg6[%dma_wait3A_848, %dma_wait3A_849, %dma_wait3A_850, %dma_wait3A_851] : memref<4x32x26x32xf32, #tpu.memory_space<vmem>> -> memref<1x32x26x32xf32, #tpu.memory_space<vmem>>
    %dma_wait3A_853 = tpu.memref_squeeze %dma_wait3A_852 : memref<1x32x26x32xf32, #tpu.memory_space<vmem>> -> memref<32x26x32xf32, #tpu.memory_space<vmem>>
    %dma_wait3A_854 = arith.constant 0 : i32
    %dma_wait3A_855 = arith.constant 0 : i32
    %dma_wait3A_856 = arith.constant 0 : i32
    %dma_wait3A_857 = tpu.memref_slice %arg4[%dma_wait3A_854, %dma_wait3A_855, %dma_wait3A_856] : memref<16384x26x32xf32, #tpu.memory_space<hbm>> -> memref<32x26x32xf32, #tpu.memory_space<hbm>>
    %dma_wait3A_858 = arith.constant 0 : i32
    %dma_wait3A_859 = arith.constant 0 : i32
    %dma_wait3A_860 = arith.constant 0 : i32
    %dma_wait3A_861 = tpu.memref_slice %arg6[%dma_wait3A_848, %dma_wait3A_858, %dma_wait3A_859, %dma_wait3A_860] : memref<4x32x26x32xf32, #tpu.memory_space<vmem>> -> memref<1x32x26x32xf32, #tpu.memory_space<vmem>>
    %dma_wait3A_862 = tpu.memref_squeeze %dma_wait3A_861 : memref<1x32x26x32xf32, #tpu.memory_space<vmem>> -> memref<32x26x32xf32, #tpu.memory_space<vmem>>
    %dma_wait3A_863 = arith.constant 0 : i32
    %dma_wait3A_864 = arith.constant 0 : i32
    %dma_wait3A_865 = arith.constant 0 : i32
    %dma_wait3A_866 = tpu.memref_slice %arg4[%dma_wait3A_863, %dma_wait3A_864, %dma_wait3A_865] : memref<16384x26x32xf32, #tpu.memory_space<hbm>> -> memref<32x26x32xf32, #tpu.memory_space<hbm>>
    tpu.wait_dma2 semaphore(%arg7 : memref<!tpu.dma_semaphore, #tpu.memory_space<semaphore_mem>>) src(%dma_wait3A_866 : memref<32x26x32xf32, #tpu.memory_space<hbm>>) dst(%dma_wait3A_862 : memref<32x26x32xf32, #tpu.memory_space<vmem>>)
    %add3A_867 = arith.constant 448 : i32
    %add3A_868 = arith.addi %mul3A_2, %add3A_867 : i32
    %dma_start3A_869 = arith.constant 2 : i32
    %dma_start3A_870 = arith.constant 0 : i32
    %dma_start3A_871 = arith.constant 0 : i32
    %dma_start3A_872 = arith.constant 0 : i32
    %dma_start3A_873 = tpu.memref_slice %arg6[%dma_start3A_869, %dma_start3A_870, %dma_start3A_871, %dma_start3A_872] : memref<4x32x26x32xf32, #tpu.memory_space<vmem>> -> memref<1x32x26x32xf32, #tpu.memory_space<vmem>>
    %dma_start3A_874 = tpu.memref_squeeze %dma_start3A_873 : memref<1x32x26x32xf32, #tpu.memory_space<vmem>> -> memref<32x26x32xf32, #tpu.memory_space<vmem>>
    %dma_start3A_875 = arith.constant 0 : i32
    %dma_start3A_876 = arith.constant 0 : i32
    %dma_start3A_877 = tpu.memref_slice %arg4[%add3A_868, %dma_start3A_875, %dma_start3A_876] : memref<16384x26x32xf32, #tpu.memory_space<hbm>> -> memref<32x26x32xf32, #tpu.memory_space<hbm>>
    %dma_start3A_878 = arith.constant 0 : i32
    %dma_start3A_879 = arith.constant 0 : i32
    %dma_start3A_880 = tpu.memref_slice %arg4[%add3A_868, %dma_start3A_878, %dma_start3A_879] : memref<16384x26x32xf32, #tpu.memory_space<hbm>> -> memref<32x26x32xf32, #tpu.memory_space<hbm>>
    %dma_start3A_881 = arith.constant 0 : i32
    %dma_start3A_882 = arith.constant 0 : i32
    %dma_start3A_883 = arith.constant 0 : i32
    %dma_start3A_884 = tpu.memref_slice %arg6[%dma_start3A_869, %dma_start3A_881, %dma_start3A_882, %dma_start3A_883] : memref<4x32x26x32xf32, #tpu.memory_space<vmem>> -> memref<1x32x26x32xf32, #tpu.memory_space<vmem>>
    %dma_start3A_885 = tpu.memref_squeeze %dma_start3A_884 : memref<1x32x26x32xf32, #tpu.memory_space<vmem>> -> memref<32x26x32xf32, #tpu.memory_space<vmem>>
    tpu.enqueue_dma source(%dma_start3A_885 : memref<32x26x32xf32, #tpu.memory_space<vmem>>) target(%dma_start3A_880 : memref<32x26x32xf32, #tpu.memory_space<hbm>>) target_semaphore(%arg8 : memref<!tpu.dma_semaphore, #tpu.memory_space<semaphore_mem>>)
    %dma_wait3A_886 = arith.constant 3 : i32
    %dma_wait3A_887 = arith.constant 0 : i32
    %dma_wait3A_888 = arith.constant 0 : i32
    %dma_wait3A_889 = arith.constant 0 : i32
    %dma_wait3A_890 = tpu.memref_slice %arg6[%dma_wait3A_886, %dma_wait3A_887, %dma_wait3A_888, %dma_wait3A_889] : memref<4x32x26x32xf32, #tpu.memory_space<vmem>> -> memref<1x32x26x32xf32, #tpu.memory_space<vmem>>
    %dma_wait3A_891 = tpu.memref_squeeze %dma_wait3A_890 : memref<1x32x26x32xf32, #tpu.memory_space<vmem>> -> memref<32x26x32xf32, #tpu.memory_space<vmem>>
    %dma_wait3A_892 = arith.constant 0 : i32
    %dma_wait3A_893 = arith.constant 0 : i32
    %dma_wait3A_894 = arith.constant 0 : i32
    %dma_wait3A_895 = tpu.memref_slice %arg4[%dma_wait3A_892, %dma_wait3A_893, %dma_wait3A_894] : memref<16384x26x32xf32, #tpu.memory_space<hbm>> -> memref<32x26x32xf32, #tpu.memory_space<hbm>>
    %dma_wait3A_896 = arith.constant 0 : i32
    %dma_wait3A_897 = arith.constant 0 : i32
    %dma_wait3A_898 = arith.constant 0 : i32
    %dma_wait3A_899 = tpu.memref_slice %arg6[%dma_wait3A_886, %dma_wait3A_896, %dma_wait3A_897, %dma_wait3A_898] : memref<4x32x26x32xf32, #tpu.memory_space<vmem>> -> memref<1x32x26x32xf32, #tpu.memory_space<vmem>>
    %dma_wait3A_900 = tpu.memref_squeeze %dma_wait3A_899 : memref<1x32x26x32xf32, #tpu.memory_space<vmem>> -> memref<32x26x32xf32, #tpu.memory_space<vmem>>
    %dma_wait3A_901 = arith.constant 0 : i32
    %dma_wait3A_902 = arith.constant 0 : i32
    %dma_wait3A_903 = arith.constant 0 : i32
    %dma_wait3A_904 = tpu.memref_slice %arg4[%dma_wait3A_901, %dma_wait3A_902, %dma_wait3A_903] : memref<16384x26x32xf32, #tpu.memory_space<hbm>> -> memref<32x26x32xf32, #tpu.memory_space<hbm>>
    tpu.wait_dma2 semaphore(%arg7 : memref<!tpu.dma_semaphore, #tpu.memory_space<semaphore_mem>>) src(%dma_wait3A_904 : memref<32x26x32xf32, #tpu.memory_space<hbm>>) dst(%dma_wait3A_900 : memref<32x26x32xf32, #tpu.memory_space<vmem>>)
    %add3A_905 = arith.constant 480 : i32
    %add3A_906 = arith.addi %mul3A_2, %add3A_905 : i32
    %dma_start3A_907 = arith.constant 3 : i32
    %dma_start3A_908 = arith.constant 0 : i32
    %dma_start3A_909 = arith.constant 0 : i32
    %dma_start3A_910 = arith.constant 0 : i32
    %dma_start3A_911 = tpu.memref_slice %arg6[%dma_start3A_907, %dma_start3A_908, %dma_start3A_909, %dma_start3A_910] : memref<4x32x26x32xf32, #tpu.memory_space<vmem>> -> memref<1x32x26x32xf32, #tpu.memory_space<vmem>>
    %dma_start3A_912 = tpu.memref_squeeze %dma_start3A_911 : memref<1x32x26x32xf32, #tpu.memory_space<vmem>> -> memref<32x26x32xf32, #tpu.memory_space<vmem>>
    %dma_start3A_913 = arith.constant 0 : i32
    %dma_start3A_914 = arith.constant 0 : i32
    %dma_start3A_915 = tpu.memref_slice %arg4[%add3A_906, %dma_start3A_913, %dma_start3A_914] : memref<16384x26x32xf32, #tpu.memory_space<hbm>> -> memref<32x26x32xf32, #tpu.memory_space<hbm>>
    %dma_start3A_916 = arith.constant 0 : i32
    %dma_start3A_917 = arith.constant 0 : i32
    %dma_start3A_918 = tpu.memref_slice %arg4[%add3A_906, %dma_start3A_916, %dma_start3A_917] : memref<16384x26x32xf32, #tpu.memory_space<hbm>> -> memref<32x26x32xf32, #tpu.memory_space<hbm>>
    %dma_start3A_919 = arith.constant 0 : i32
    %dma_start3A_920 = arith.constant 0 : i32
    %dma_start3A_921 = arith.constant 0 : i32
    %dma_start3A_922 = tpu.memref_slice %arg6[%dma_start3A_907, %dma_start3A_919, %dma_start3A_920, %dma_start3A_921] : memref<4x32x26x32xf32, #tpu.memory_space<vmem>> -> memref<1x32x26x32xf32, #tpu.memory_space<vmem>>
    %dma_start3A_923 = tpu.memref_squeeze %dma_start3A_922 : memref<1x32x26x32xf32, #tpu.memory_space<vmem>> -> memref<32x26x32xf32, #tpu.memory_space<vmem>>
    tpu.enqueue_dma source(%dma_start3A_923 : memref<32x26x32xf32, #tpu.memory_space<vmem>>) target(%dma_start3A_918 : memref<32x26x32xf32, #tpu.memory_space<hbm>>) target_semaphore(%arg8 : memref<!tpu.dma_semaphore, #tpu.memory_space<semaphore_mem>>)
    %dma_wait3A_924 = arith.constant 0 : i32
    %dma_wait3A_925 = arith.constant 0 : i32
    %dma_wait3A_926 = arith.constant 0 : i32
    %dma_wait3A_927 = arith.constant 0 : i32
    %dma_wait3A_928 = tpu.memref_slice %arg6[%dma_wait3A_924, %dma_wait3A_925, %dma_wait3A_926, %dma_wait3A_927] : memref<4x32x26x32xf32, #tpu.memory_space<vmem>> -> memref<1x32x26x32xf32, #tpu.memory_space<vmem>>
    %dma_wait3A_929 = tpu.memref_squeeze %dma_wait3A_928 : memref<1x32x26x32xf32, #tpu.memory_space<vmem>> -> memref<32x26x32xf32, #tpu.memory_space<vmem>>
    %dma_wait3A_930 = arith.constant 0 : i32
    %dma_wait3A_931 = arith.constant 0 : i32
    %dma_wait3A_932 = tpu.memref_slice %arg4[%add3A_768, %dma_wait3A_930, %dma_wait3A_931] : memref<16384x26x32xf32, #tpu.memory_space<hbm>> -> memref<32x26x32xf32, #tpu.memory_space<hbm>>
    %dma_wait3A_933 = arith.constant 0 : i32
    %dma_wait3A_934 = arith.constant 0 : i32
    %dma_wait3A_935 = tpu.memref_slice %arg4[%add3A_768, %dma_wait3A_933, %dma_wait3A_934] : memref<16384x26x32xf32, #tpu.memory_space<hbm>> -> memref<32x26x32xf32, #tpu.memory_space<hbm>>
    %dma_wait3A_936 = arith.constant 0 : i32
    %dma_wait3A_937 = arith.constant 0 : i32
    %dma_wait3A_938 = arith.constant 0 : i32
    %dma_wait3A_939 = tpu.memref_slice %arg6[%dma_wait3A_924, %dma_wait3A_936, %dma_wait3A_937, %dma_wait3A_938] : memref<4x32x26x32xf32, #tpu.memory_space<vmem>> -> memref<1x32x26x32xf32, #tpu.memory_space<vmem>>
    %dma_wait3A_940 = tpu.memref_squeeze %dma_wait3A_939 : memref<1x32x26x32xf32, #tpu.memory_space<vmem>> -> memref<32x26x32xf32, #tpu.memory_space<vmem>>
    tpu.wait_dma2 semaphore(%arg8 : memref<!tpu.dma_semaphore, #tpu.memory_space<semaphore_mem>>) src(%dma_wait3A_940 : memref<32x26x32xf32, #tpu.memory_space<vmem>>) dst(%dma_wait3A_935 : memref<32x26x32xf32, #tpu.memory_space<hbm>>)
    %dma_wait3A_941 = arith.constant 1 : i32
    %dma_wait3A_942 = arith.constant 0 : i32
    %dma_wait3A_943 = arith.constant 0 : i32
    %dma_wait3A_944 = arith.constant 0 : i32
    %dma_wait3A_945 = tpu.memref_slice %arg6[%dma_wait3A_941, %dma_wait3A_942, %dma_wait3A_943, %dma_wait3A_944] : memref<4x32x26x32xf32, #tpu.memory_space<vmem>> -> memref<1x32x26x32xf32, #tpu.memory_space<vmem>>
    %dma_wait3A_946 = tpu.memref_squeeze %dma_wait3A_945 : memref<1x32x26x32xf32, #tpu.memory_space<vmem>> -> memref<32x26x32xf32, #tpu.memory_space<vmem>>
    %dma_wait3A_947 = arith.constant 0 : i32
    %dma_wait3A_948 = arith.constant 0 : i32
    %dma_wait3A_949 = tpu.memref_slice %arg4[%add3A_830, %dma_wait3A_947, %dma_wait3A_948] : memref<16384x26x32xf32, #tpu.memory_space<hbm>> -> memref<32x26x32xf32, #tpu.memory_space<hbm>>
    %dma_wait3A_950 = arith.constant 0 : i32
    %dma_wait3A_951 = arith.constant 0 : i32
    %dma_wait3A_952 = tpu.memref_slice %arg4[%add3A_830, %dma_wait3A_950, %dma_wait3A_951] : memref<16384x26x32xf32, #tpu.memory_space<hbm>> -> memref<32x26x32xf32, #tpu.memory_space<hbm>>
    %dma_wait3A_953 = arith.constant 0 : i32
    %dma_wait3A_954 = arith.constant 0 : i32
    %dma_wait3A_955 = arith.constant 0 : i32
    %dma_wait3A_956 = tpu.memref_slice %arg6[%dma_wait3A_941, %dma_wait3A_953, %dma_wait3A_954, %dma_wait3A_955] : memref<4x32x26x32xf32, #tpu.memory_space<vmem>> -> memref<1x32x26x32xf32, #tpu.memory_space<vmem>>
    %dma_wait3A_957 = tpu.memref_squeeze %dma_wait3A_956 : memref<1x32x26x32xf32, #tpu.memory_space<vmem>> -> memref<32x26x32xf32, #tpu.memory_space<vmem>>
    tpu.wait_dma2 semaphore(%arg8 : memref<!tpu.dma_semaphore, #tpu.memory_space<semaphore_mem>>) src(%dma_wait3A_957 : memref<32x26x32xf32, #tpu.memory_space<vmem>>) dst(%dma_wait3A_952 : memref<32x26x32xf32, #tpu.memory_space<hbm>>)
    %dma_wait3A_958 = arith.constant 2 : i32
    %dma_wait3A_959 = arith.constant 0 : i32
    %dma_wait3A_960 = arith.constant 0 : i32
    %dma_wait3A_961 = arith.constant 0 : i32
    %dma_wait3A_962 = tpu.memref_slice %arg6[%dma_wait3A_958, %dma_wait3A_959, %dma_wait3A_960, %dma_wait3A_961] : memref<4x32x26x32xf32, #tpu.memory_space<vmem>> -> memref<1x32x26x32xf32, #tpu.memory_space<vmem>>
    %dma_wait3A_963 = tpu.memref_squeeze %dma_wait3A_962 : memref<1x32x26x32xf32, #tpu.memory_space<vmem>> -> memref<32x26x32xf32, #tpu.memory_space<vmem>>
    %dma_wait3A_964 = arith.constant 0 : i32
    %dma_wait3A_965 = arith.constant 0 : i32
    %dma_wait3A_966 = tpu.memref_slice %arg4[%add3A_868, %dma_wait3A_964, %dma_wait3A_965] : memref<16384x26x32xf32, #tpu.memory_space<hbm>> -> memref<32x26x32xf32, #tpu.memory_space<hbm>>
    %dma_wait3A_967 = arith.constant 0 : i32
    %dma_wait3A_968 = arith.constant 0 : i32
    %dma_wait3A_969 = tpu.memref_slice %arg4[%add3A_868, %dma_wait3A_967, %dma_wait3A_968] : memref<16384x26x32xf32, #tpu.memory_space<hbm>> -> memref<32x26x32xf32, #tpu.memory_space<hbm>>
    %dma_wait3A_970 = arith.constant 0 : i32
    %dma_wait3A_971 = arith.constant 0 : i32
    %dma_wait3A_972 = arith.constant 0 : i32
    %dma_wait3A_973 = tpu.memref_slice %arg6[%dma_wait3A_958, %dma_wait3A_970, %dma_wait3A_971, %dma_wait3A_972] : memref<4x32x26x32xf32, #tpu.memory_space<vmem>> -> memref<1x32x26x32xf32, #tpu.memory_space<vmem>>
    %dma_wait3A_974 = tpu.memref_squeeze %dma_wait3A_973 : memref<1x32x26x32xf32, #tpu.memory_space<vmem>> -> memref<32x26x32xf32, #tpu.memory_space<vmem>>
    tpu.wait_dma2 semaphore(%arg8 : memref<!tpu.dma_semaphore, #tpu.memory_space<semaphore_mem>>) src(%dma_wait3A_974 : memref<32x26x32xf32, #tpu.memory_space<vmem>>) dst(%dma_wait3A_969 : memref<32x26x32xf32, #tpu.memory_space<hbm>>)
    %dma_wait3A_975 = arith.constant 3 : i32
    %dma_wait3A_976 = arith.constant 0 : i32
    %dma_wait3A_977 = arith.constant 0 : i32
    %dma_wait3A_978 = arith.constant 0 : i32
    %dma_wait3A_979 = tpu.memref_slice %arg6[%dma_wait3A_975, %dma_wait3A_976, %dma_wait3A_977, %dma_wait3A_978] : memref<4x32x26x32xf32, #tpu.memory_space<vmem>> -> memref<1x32x26x32xf32, #tpu.memory_space<vmem>>
    %dma_wait3A_980 = tpu.memref_squeeze %dma_wait3A_979 : memref<1x32x26x32xf32, #tpu.memory_space<vmem>> -> memref<32x26x32xf32, #tpu.memory_space<vmem>>
    %dma_wait3A_981 = arith.constant 0 : i32
    %dma_wait3A_982 = arith.constant 0 : i32
    %dma_wait3A_983 = tpu.memref_slice %arg4[%add3A_906, %dma_wait3A_981, %dma_wait3A_982] : memref<16384x26x32xf32, #tpu.memory_space<hbm>> -> memref<32x26x32xf32, #tpu.memory_space<hbm>>
    %dma_wait3A_984 = arith.constant 0 : i32
    %dma_wait3A_985 = arith.constant 0 : i32
    %dma_wait3A_986 = tpu.memref_slice %arg4[%add3A_906, %dma_wait3A_984, %dma_wait3A_985] : memref<16384x26x32xf32, #tpu.memory_space<hbm>> -> memref<32x26x32xf32, #tpu.memory_space<hbm>>
    %dma_wait3A_987 = arith.constant 0 : i32
    %dma_wait3A_988 = arith.constant 0 : i32
    %dma_wait3A_989 = arith.constant 0 : i32
    %dma_wait3A_990 = tpu.memref_slice %arg6[%dma_wait3A_975, %dma_wait3A_987, %dma_wait3A_988, %dma_wait3A_989] : memref<4x32x26x32xf32, #tpu.memory_space<vmem>> -> memref<1x32x26x32xf32, #tpu.memory_space<vmem>>
    %dma_wait3A_991 = tpu.memref_squeeze %dma_wait3A_990 : memref<1x32x26x32xf32, #tpu.memory_space<vmem>> -> memref<32x26x32xf32, #tpu.memory_space<vmem>>
    tpu.wait_dma2 semaphore(%arg8 : memref<!tpu.dma_semaphore, #tpu.memory_space<semaphore_mem>>) src(%dma_wait3A_991 : memref<32x26x32xf32, #tpu.memory_space<vmem>>) dst(%dma_wait3A_986 : memref<32x26x32xf32, #tpu.memory_space<hbm>>)
    return
  }
}

</mosaic_0001>

<sc_bundles>
// kernel: kernel.3.cloned.1.call-start
scs
__scs_entry_jumppad:
0x0: {  	(pc) =	sbr.rel $0x88, $3  }
0x1: {  	(tag) =	ssettag $0x0;
	lr =	simm.s32 $0x1  }
0x2: {  	[smem:$0x3F9F] =	sst lr;
	_ =	strace $0xD0000000  }
0x3: {  	_ = 	snop  }
0x4: {  	_ = 	snop  }
0x5: {  	_ = 	snop  }
0x6: {  	_ = 	snop  }
0x7: {  	_ = 	snop  }
__scs_overlays_trampoline_lowered:
0x8: {  	[smem:$0x3FAE] =	sst s0  }
0x9: {  	[smem:$0x3FAF] =	sst s1  }
0xa: {  	[smem:$0x3FB0] =	sst s2  }
0xb: {  	[smem:$0x3FB1] =	sst s3  }
0xc: {  	[smem:$0x3FB2] =	sst s4  }
0xd: {  	[smem:$0x3FB3] =	sst s5  }
0xe: {  	[smem:$0x3FB4] =	sst s6  }
0xf: {  	[smem:$0x3FB5] =	sst s7  }
0x10: {  	[smem:$0x3FB6] =	sst s8  }
0x11: {  	[smem:$0x3FB7] =	sst s9;
	s0 =	simm.s32 @!p0 $0x0  }
0x12: {  	s1 =	sld [smem:$0x3F9D];
	s0 =	simm.s32 @p0 $0x1  }
0x13: {  	[smem:$0x3FB8] =	sst s0;
	s0 =	simm.s32 @!p1 $0x0  }
0x14: {  	s2 =	sld [smem:$0x3F9C];
	s0 =	simm.s32 @p1 $0x1  }
0x15: {  	[smem:$0x3FB9] =	sst s0;
	s0 =	simm.s32 @!p2 $0x0  }
0x16: {  	s3 =	sld [smem:$0x3FDB];
	s0 =	simm.s32 @p2 $0x1  }
0x17: {  	s4 =	simm.s32 $0x1BF5;
	[smem:$0x3FBB] =	sst s0  }
0x18: {  	s0 =	sld [smem:$0x3F9E];
	_ =	swait.ge [sflag:s4], $0x0  }
0x19: {  	s7 =	sld [smem:$0x3F9F]  }
0x1a: {  	s8 =	sadd.s32 $0xFFFFE003, lr  }
0x1b: {  	s9 =	sadd.s32 $0xFFFFFEF7, lr;
	s5 =	simm.s32 $0xFFFFFFFF;
	p2 =	slt.u32 s8, $0xFFFFF086  }
0x1c: {  	p1 =	slt.u32 s9, $0xF7A;
	s5 =	simm.s32 @!p2 $0x0  }
0x1d: {  	s5 =	simm.s32 @p1 $0x1;
	p0 =	seq.s32 s7, s2  }
0x1e: {  	s7 =	smul.u32 @!p0 $0xF7A, s2;
	p2 =	seq.s32 @!p0 s5, $0x0  }
0x1f: {  	s9 =	smul.u32 $0xF7A, s1;
	s8 =	simm.s32 @!p0 $0x1BF5;
	p2 =	por !p2, p0  }
0x20: {  	[sflag:s8] =	ssyncset.s32 @!p0 $0xFFFFF086;
	s6 =	sadd.s32 @!p0 s3, s7;
	s7 =	simm.s32 @!p0 $0x108  }
0x21: {  	s3 =	sadd.s32 s3, s9;
	s6 =	sadd.s32 @!p0 $0x88, s6;
	s7 =	simm.s32 @p2 $0x1082  }
0x22: {  	[simem:s7], [sflag:s8] =	dma.local @!p0 [hbm:s6], $0xF7A  }
0x23: {  	s9 =	sor.u32 $0xD0000000, s2;
	s6 =	simm.s32 $0x108;
	_ =	swait.ge @!p0 [sflag:s8], $0x0  }
0x24: {  	s3 =	sadd.s32 $0x88, s3;
	s6 =	simm.s32 @!p1 $0x1082;
	[sflag:s4] =	ssyncset.s32 $0xFFFFF086  }
0x25: {  	[simem:s6], [sflag:s4] =	dma.local [hbm:s3], $0xF7A  }
0x26: {  	[smem:$0x3F9F] =	sst s1;
	(tag) =	ssettag s2;
	_ =	strace s9  }
0x27: {  	s1 =	sld [smem:$0x3FAF]  }
0x28: {  	s2 =	sld [smem:$0x3FB0]  }
0x29: {  	s4 =	sld [smem:$0x3FB2]  }
0x2a: {  	p0 =	seq.s32 s5, $0x0;
	s5 =	sld [smem:$0x3FB3]  }
0x2b: {  	s6 =	sld [smem:$0x3FB4]  }
0x2c: {  	s7 =	sld [smem:$0x3FB5]  }
0x2d: {  	s3 =	simm.s32 $0x108;
	s8 =	sld [smem:$0x3FB6]  }
0x2e: {  	s3 =	simm.s32 @!p0 $0x1082;
	s9 =	sld [smem:$0x3FB7]  }
0x2f: {  	lr =	sadd.s32 s0, s3;
	s0 =	sld [smem:$0x3FAE]  }
0x30: {  	s3 =	sld [smem:$0x3FB1]  }
0x31: {  	[smem:$0x3FBA] =	sst s10  }
0x32: {  	s10 =	sld [smem:$0x3FB8];
	_ =	sdelay $0x3  }
0x33: {  	p0 =	seq.s32 s10, $0x1;
	s10 =	sld [smem:$0x3FBA];
	_ =	sdelay $0x3  }
0x34: {  	[smem:$0x3FBA] =	sst s10  }
0x35: {  	s10 =	sld [smem:$0x3FB9];
	_ =	sdelay $0x3  }
0x36: {  	p1 =	seq.s32 s10, $0x1;
	s10 =	sld [smem:$0x3FBA];
	_ =	sdelay $0x3  }
0x37: {  	[smem:$0x3FBA] =	sst s10  }
0x38: {  	s10 =	sld [smem:$0x3FBB]  }
0x39: {  	_ = 	snop;
	(pc) =	sbr.ind lr, $3  }
0x3a: {  	_ = 	snop  }
0x3b: {  	_ = 	snop  }
0x3c: {  	p2 =	seq.s32 s10, $0x1;
	s10 =	sld [smem:$0x3FBA]  }
0x3d: {  	_ =	shalt  }
0x3e: {  	_ =	shalt  }
0x3f: {  	_ =	shalt  }
0x40: {  	_ =	shalt  }
0x41: {  	_ =	shalt  }
0x42: {  	_ =	shalt  }
0x43: {  	_ =	shalt  }
0x44: {  	_ =	shalt  }
0x45: {  	_ =	shalt  }
0x46: {  	_ =	shalt  }
0x47: {  	_ =	shalt  }
0x48: {  	_ =	shalt  }
0x49: {  	_ =	shalt  }
0x4a: {  	_ =	shalt  }
0x4b: {  	_ =	shalt  }
0x4c: {  	_ =	shalt  }
0x4d: {  	_ =	shalt  }
0x4e: {  	_ =	shalt  }
0x4f: {  	_ =	shalt  }
0x50: {  	_ =	shalt  }
0x51: {  	_ =	shalt  }
0x52: {  	_ =	shalt  }
0x53: {  	_ =	shalt  }
0x54: {  	_ =	shalt  }
0x55: {  	_ =	shalt  }
0x56: {  	_ =	shalt  }
0x57: {  	_ =	shalt  }
0x58: {  	_ =	shalt  }
0x59: {  	_ =	shalt  }
0x5a: {  	_ =	shalt  }
0x5b: {  	_ =	shalt  }
0x5c: {  	_ =	shalt  }
0x5d: {  	_ =	shalt  }
0x5e: {  	_ =	shalt  }
0x5f: {  	_ =	shalt  }
0x60: {  	_ =	shalt  }
0x61: {  	_ =	shalt  }
0x62: {  	_ =	shalt  }
0x63: {  	_ =	shalt  }
0x64: {  	_ =	shalt  }
0x65: {  	_ =	shalt  }
0x66: {  	_ =	shalt  }
0x67: {  	_ =	shalt  }
0x68: {  	_ =	shalt  }
0x69: {  	_ =	shalt  }
0x6a: {  	_ =	shalt  }
0x6b: {  	_ =	shalt  }
0x6c: {  	_ =	shalt  }
0x6d: {  	_ =	shalt  }
0x6e: {  	_ =	shalt  }
0x6f: {  	_ =	shalt  }
0x70: {  	_ =	shalt  }
0x71: {  	_ =	shalt  }
0x72: {  	_ =	shalt  }
0x73: {  	_ =	shalt  }
0x74: {  	_ =	shalt  }
0x75: {  	_ =	shalt  }
0x76: {  	_ =	shalt  }
0x77: {  	_ =	shalt  }
0x78: {  	_ =	shalt  }
0x79: {  	_ =	shalt  }
0x7a: {  	_ =	shalt  }
0x7b: {  	_ =	shalt  }
0x7c: {  	_ =	shalt  }
0x7d: {  	_ =	shalt  }
0x7e: {  	_ =	shalt  }
0x7f: {  	_ =	shalt  }
0x80: {  	_ =	shalt  }
0x81: {  	_ =	shalt  }
0x82: {  	_ =	shalt  }
0x83: {  	_ =	shalt  }
0x84: {  	_ =	shalt  }
0x85: {  	_ =	shalt  }
0x86: {  	_ =	shalt  }
0x87: {  	_ =	shalt  }
.Lfunc_end0:
.L_simem_size_0:
called_computation.1_lowered:
.L_overlay_start_0:
0x88: {  	s2 =	sld [smem:$0x3FD9]  }
0x89: {  	s3 =	sld [smem:$0x3FFE];
	_ =	sdelay $0x1  }
0x8a: {  	s1 =	srdreg.scid  }
0x8b: {  	s0 =	sand.u32 $0x1, s1  }
0x8c: {  	s17 =	sshll.u32 s0, $0xA;
	s2 =	sadd.s32 s3, s2  }
0x8d: {  	s2 =	sadd.s32 s2, s17  }
0x8e: {  	[smem:$0x3FC6] =	sst s2  }
0x8f: {  	_ = 	snop  }
0x90: {  	s2 =	sld [smem:$0x3FD0];
	(tm) =	ssettm $0x1  }
0x91: {  	s18 =	sld [smem:$0x3FFB];
	_ =	sdelay $0x3  }
0x92: {  	_ =	strace s18  }
0x93: {  	s3 =	sld [smem:$0x3FFC];
	_ =	sdelay $0x3  }
0x94: {  	_ =	strace s3  }
0x95: {  	s3 =	sld [smem:$0x3FFD];
	_ =	sdelay $0x3  }
0x96: {  	_ =	strace s3  }
0x97: {  	_ =	strace $0x8FFFFFFF  }
0x98: {  	s19 =	sld [smem:$0x3FDB];
	_ =	sdelay $0x1  }
0x99: {  	s4 =	simm.s32 $_scs_section_size  }
0x9a: {  	s5 =	simm.s32 $_size__tile_overlayer_lowered;
	s6 =	simm.s32 $_tile_overlayer_lowered  }
0x9b: {  	s22 =	simm.s32 $0x1BFF;
	s21 =	sshll.u32 s6, $0x1;
	s3 =	sadd.s32 s4, s19  }
0x9c: {  	s7 =	simm.s32 $0x0;
	s20 =	sshll.u32 s5, $0x1;
	s5 =	sadd.s32 s21, s3  }
0x9d: {  	[timem:s7], [sflag:s22] =	dma.local [hbm:s5], s20  }
0x9e: {  	_ =	swait.ge [sflag:s22], s20  }
0x9f: {  	s4 =	ssub.s32 $0x0, s20;
	[sflag:s22] =	ssyncset.done $0x0  }
0xa0: {  	[sflag:s22] =	ssyncadd.s32 s4;
	_ =	sdelay $0x1  }
0xa1: {  	s23 =	simm.s32 $0x1B8B  }
0xa2: {  	_ =	swait.ge [sflag:s23], $0x1  }
0xa3: {  	[sflag:s23] =	ssyncset.done $0x0  }
0xa4: {  	s25 =	simm.s32 $0x1B8E;
	s24 =	sld [smem:$0x3FFE];
	[sflag:s23] =	ssyncadd.s32 $0xFFFFFFFF  }
0xa5: {  	s26 =	simm.s32 $execute0_lowered;
	[smem:$0x3FD2] =	sst s25  }
0xa6: {  	s5 =	sshll.u32 s26, $0x1;
	_ =	strace $0x80000046;
	[dreg:$0x1] =	wrdreg $0xFFFFFFFF  }
0xa7: {  	s28 =	simm.s32 $_size_execute0_lowered;
	s3 =	sadd.s32 s3, s5;
	[dreg:$0x0] =	wrdreg $0x0  }
0xa8: {  	s5 =	sshll.u32 s28, $0x1;
	[dreg:$0x2] =	wrdreg s3  }
0xa9: {  	[dreg:$0x3] =	wrdreg s5  }
0xaa: {  	[dreg:$0x4] =	wrdreg $0xC0  }
0xab: {  	_ =	task [dreg:s7], $0x5FFFF  }
0xac: {  	[dreg:$0x1] =	wrdreg $0xFFFFFFFF  }
0xad: {  	[dreg:$0x0] =	wrdreg $0x60  }
0xae: {  	[dreg:$0x2] =	wrdreg s24  }
0xaf: {  	[dreg:$0x3] =	wrdreg s2  }
0xb0: {  	[dreg:$0x4] =	wrdreg $0x9  }
0xb1: {  	_ =	task.clear_ibuf [dreg:s7], $0x5FFFF;
	_ =	strace $0x90000046  }
0xb2: {  	s29 =	simm.s32 $0x9;
	_ =	strace $0x80000048  }
0xb3: {  	_ =	swait.ge [sflag:s29], $0x1  }
0xb4: {  	[sflag:s29] =	ssyncadd.s32 $0xFFFFFFFF  }
0xb5: {  	_ =	strace $0x90000048  }
0xb6: {  	_ =	sfence  }
0xb7: {  	s30 =	sld [smem:$0x0];
	_ =	sdelay $0x2  }
0xb8: {  	s31 =	sshll.u32 s1, $0xD;
	s1 =	sshrl.u32 s1, $0x2  }
0xb9: {  	s3 =	sand.u32 $0x4000, s31;
	s1 =	sadd.s32 s1, s30  }
0xba: {  	s0 =	sor.u32 s3, s0;
	s1 =	sshll.u32 s1, $0x11  }
0xbb: {  	s0 =	sor.u32 s1, s0  }
0xbc: {  	s0 =	sadd.s32 $0x8F2B, s0  }
0xbd: {  	[sflag:s0] =	ssyncadd.remote.s32 $0x1  }
0xbe: {  	_ =	sfence.sel $0xFFFF  }
0xbf: {  	[dreg:$0x0] =	wrdreg $0xFFFFFFFF;
	(pc) =	sbr.abs _section_cstart, $3  }
0xc0: {  	[dreg:$0x1] =	wrdreg $0xFFFFFFFF  }
0xc1: {  	_ =	task.clear_ibuf [dreg:s7], $0x2FFFF;
	_ =	strace $0x9FFFFFFF  }
0xc2: {  	(tm) =	ssettm $0x7FFFFFFF  }
0xc3: {  	_ =	shalt  }
tec
execute0_lowered:
.L_overlay_start_1:
0x0: {  	(tag) =	ssettag $0x1  }
0x1: {  	s0 =	rddreg [dreg:$0x0]  }
0x2: {  	s1 =	rddreg [dreg:$0x1];
	s3 =	srdreg.scid;
	s2 =	simm.s32 $0x0  }
0x3: {  	s5 =	stileid.u32;
	s4 =	sand.u32 $0x1, s3;
	[smem:$0x7FF] =	sst s2  }
0x4: {  	s9 =	sshll.u32 s5, $0xA;
	s10 =	sshll.u32 s4, $0x9;
	s4 =	ssub.s32 $0x2, s4  }
0x5: {  	s3 =	sadd.s32 $0xF42E00, s0;
	s5 =	sor.u32 s10, s9;
	s8 =	sshrl.u32 s4, $0x1  }
0x6: {  	s6 =	smul.u32 $0x340, s5;
	s7 =	sshll.u32 s5, $0x2;
	s4 =	ssub.s32 s4, s8  }
0x7: {  	s5 =	smul.u32 $0x68, s5;
	s0 =	sadd.s32 s7, s0;
	s26 =	smax.u32 s4, $0x1  }
0x8: {  	_ =	strace $0x80000047;
	s0 =	sadd.s32 $0xA00, s0;
	[dreg:$0x14] =	wrdreg s26  }
0x9: {  	s6 =	sshrl.u32 s6, $0x3;
	s5 =	sadd.s32 s1, s5;
	[dreg:$0x3] =	wrdreg s0  }
0xa: {  	s11 =	sadd.s32 s1, s6;
	[dreg:$0x4] =	wrdreg s5;
	s12 =	sadd.s32 $0xD00, s5  }
0xb: {  	[dreg:$0x5] =	wrdreg s12;
	s13 =	sadd.s32 $0x1A00, s11  }
0xc: {  	s29 =	simm.s32 $0x9E40;
	s14 =	sadd.s32 $0x2700, s11;
	[dreg:$0x6] =	wrdreg s13  }
0xd: {  	s31 =	simm.s32 $0xA180;
	s15 =	sadd.s32 $0x3400, s11;
	[dreg:$0x7] =	wrdreg s14  }
0xe: {  	s28 =	simm.s32 $0x1;
	s16 =	sadd.s32 $0x4100, s11;
	[dreg:$0x8] =	wrdreg s15  }
0xf: {  	s30 =	simm.s32 $0x11000;
	s17 =	sadd.s32 $0x4E00, s11;
	[dreg:$0x9] =	wrdreg s16  }
0x10: {  	s9 =	simm.s32 $0x6A40;
	s18 =	sadd.s32 $0x5B00, s11;
	[dreg:$0xa] =	wrdreg s17  }
0x11: {  	s10 =	simm.s32 $0x6D80;
	s19 =	sadd.s32 $0x6800, s11;
	[dreg:$0xb] =	wrdreg s18  }
0x12: {  	s8 =	simm.s32 $0xA800;
	s20 =	sadd.s32 $0x7500, s11;
	[dreg:$0xc] =	wrdreg s19  }
0x13: {  	s4 =	simm.s32 $0x0;
	s21 =	sadd.s32 $0x8200, s11;
	[dreg:$0xd] =	wrdreg s20  }
0x14: {  	s26 =	simm.s32 $0x9B00;
	s22 =	sadd.s32 $0x8F00, s11;
	[dreg:$0xe] =	wrdreg s21  }
0x15: {  	s5 =	simm.s32 $0x9480;
	s23 =	sadd.s32 $0x9C00, s11;
	[dreg:$0xf] =	wrdreg s22  }
0x16: {  	s1 =	simm.s32 $0xA4C0;
	s24 =	sadd.s32 $0xA900, s11;
	[dreg:$0x10] =	wrdreg s23  }
0x17: {  	s25 =	sadd.s32 $0xB600, s11;
	s0 =	sadd.s32 $0xC300, s11;
	[dreg:$0x11] =	wrdreg s24  }
0x18: {  	s11 =	simm.s32 $0x70C0;
	s12 =	simm.s32 $0x7400;
	[dreg:$0x12] =	wrdreg s25  }
0x19: {  	[dreg:$0x13] =	wrdreg s0;
	s23 =	simm.s32 $0x1A;
	s24 =	simm.s32 $0x4000  }
0x1a: {  	s13 =	simm.s32 $0x7740;
	s14 =	simm.s32 $0x7A80;
	s15 =	simm.s32 $0x7DC0  }
0x1b: {  	s16 =	simm.s32 $0x8100;
	s17 =	simm.s32 $0x8440;
	s18 =	simm.s32 $0x8780  }
0x1c: {  	s19 =	simm.s32 $0x8AC0;
	s20 =	simm.s32 $0x8E00;
	s21 =	simm.s32 $0x9140  }
0x1d: {  	s22 =	simm.s32 $0x97C0;
	s0 =	simm.s32 $0x2;
	s25 =	simm.s32 $0x17800  }
.LBB2_1:
0x1e: {  	s6 =	rddreg [dreg:$0x3];
	s7 =	simm.s32 $0x3  }
0x1f: {  	[tilespmem:s2], [sflag:$0x3] =	stream.linear.gather [hbm4b:s6+s2], $0x4000, $0x38;
	[tilespmem:$0x1E000] =	vst v63  }
0x20: {  	_ =	swait.ge [sflag:s7], $0x4000  }
0x21: {  	[sflag:s7] =	ssyncset.done $0x0  }
0x22: {  	[sflag:s7] =	ssyncadd.s32 $0xFFFFC000  }
0x23: {  	[tilespmem:s24], [sflag:$0x1] =	stream.indirect.gather [hbm4b:s3+s23], $0x20, s2, s23, $0xb8;
	[tilespmem:$0x1E000] =	vst v63  }
0x24: {  	s6 =	simm.s32 $0x20;
	s7 =	simm.s32 $0x4340  }
0x25: {  	[tilespmem:s7], [sflag:$0x1] =	stream.indirect.gather [hbm4b:s3+s23], $0x20, s6, s23, $0xb8;
	[tilespmem:$0x1E000] =	vst v63  }
0x26: {  	s6 =	simm.s32 $0x40;
	s7 =	simm.s32 $0x4680  }
0x27: {  	[tilespmem:s7], [sflag:$0x1] =	stream.indirect.gather [hbm4b:s3+s23], $0x20, s6, s23, $0xb8;
	[tilespmem:$0x1E000] =	vst v63  }
0x28: {  	s6 =	simm.s32 $0x60;
	s7 =	simm.s32 $0x49C0  }
0x29: {  	[tilespmem:s7], [sflag:$0x1] =	stream.indirect.gather [hbm4b:s3+s23], $0x20, s6, s23, $0xb8;
	[tilespmem:$0x1E000] =	vst v63  }
0x2a: {  	s6 =	simm.s32 $0x80;
	s7 =	simm.s32 $0x4D00  }
0x2b: {  	[tilespmem:s7], [sflag:$0x1] =	stream.indirect.gather [hbm4b:s3+s23], $0x20, s6, s23, $0xb8;
	[tilespmem:$0x1E000] =	vst v63  }
0x2c: {  	s6 =	simm.s32 $0xA0;
	s7 =	simm.s32 $0x5040  }
0x2d: {  	[tilespmem:s7], [sflag:$0x1] =	stream.indirect.gather [hbm4b:s3+s23], $0x20, s6, s23, $0xb8;
	[tilespmem:$0x1E000] =	vst v63  }
0x2e: {  	s6 =	simm.s32 $0xC0;
	s7 =	simm.s32 $0x5380  }
0x2f: {  	[tilespmem:s7], [sflag:$0x1] =	stream.indirect.gather [hbm4b:s3+s23], $0x20, s6, s23, $0xb8;
	[tilespmem:$0x1E000] =	vst v63  }
0x30: {  	s6 =	simm.s32 $0xE0;
	s7 =	simm.s32 $0x56C0  }
0x31: {  	[tilespmem:s7], [sflag:$0x1] =	stream.indirect.gather [hbm4b:s3+s23], $0x20, s6, s23, $0xb8;
	[tilespmem:$0x1E000] =	vst v63  }
0x32: {  	s6 =	simm.s32 $0x100;
	s7 =	simm.s32 $0x5A00  }
0x33: {  	[tilespmem:s7], [sflag:$0x1] =	stream.indirect.gather [hbm4b:s3+s23], $0x20, s6, s23, $0xb8;
	[tilespmem:$0x1E000] =	vst v63  }
0x34: {  	s6 =	simm.s32 $0x120;
	s7 =	simm.s32 $0x5D40  }
0x35: {  	[tilespmem:s7], [sflag:$0x1] =	stream.indirect.gather [hbm4b:s3+s23], $0x20, s6, s23, $0xb8;
	[tilespmem:$0x1E000] =	vst v63  }
0x36: {  	s6 =	simm.s32 $0x140;
	s7 =	simm.s32 $0x6080  }
0x37: {  	[tilespmem:s7], [sflag:$0x1] =	stream.indirect.gather [hbm4b:s3+s23], $0x20, s6, s23, $0xb8;
	[tilespmem:$0x1E000] =	vst v63  }
0x38: {  	s6 =	simm.s32 $0x160;
	s7 =	simm.s32 $0x63C0  }
0x39: {  	[tilespmem:s7], [sflag:$0x1] =	stream.indirect.gather [hbm4b:s3+s23], $0x20, s6, s23, $0xb8;
	[tilespmem:$0x1E000] =	vst v63  }
0x3a: {  	s6 =	simm.s32 $0x180;
	s7 =	simm.s32 $0x6700  }
0x3b: {  	[tilespmem:s7], [sflag:$0x1] =	stream.indirect.gather [hbm4b:s3+s23], $0x20, s6, s23, $0xb8;
	[tilespmem:$0x1E000] =	vst v63  }
0x3c: {  	s7 =	simm.s32 $0x1A0  }
0x3d: {  	[tilespmem:s9], [sflag:$0x1] =	stream.indirect.gather [hbm4b:s3+s23], $0x20, s7, s23, $0xb8;
	[tilespmem:$0x1E000] =	vst v63  }
0x3e: {  	s9 =	simm.s32 $0x1C0  }
0x3f: {  	[tilespmem:s10], [sflag:$0x1] =	stream.indirect.gather [hbm4b:s3+s23], $0x20, s9, s23, $0xb8;
	[tilespmem:$0x1E000] =	vst v63  }
0x40: {  	s7 =	simm.s32 $0x1E0  }
0x41: {  	[tilespmem:s11], [sflag:$0x1] =	stream.indirect.gather [hbm4b:s3+s23], $0x20, s7, s23, $0xb8;
	[tilespmem:$0x1E000] =	vst v63  }
0x42: {  	s9 =	simm.s32 $0x200  }
0x43: {  	[tilespmem:s12], [sflag:$0x1] =	stream.indirect.gather [hbm4b:s3+s23], $0x20, s9, s23, $0xb8;
	[tilespmem:$0x1E000] =	vst v63  }
0x44: {  	s7 =	simm.s32 $0x220  }
0x45: {  	[tilespmem:s13], [sflag:$0x1] =	stream.indirect.gather [hbm4b:s3+s23], $0x20, s7, s23, $0xb8;
	[tilespmem:$0x1E000] =	vst v63  }
0x46: {  	s9 =	simm.s32 $0x240  }
0x47: {  	[tilespmem:s14], [sflag:$0x1] =	stream.indirect.gather [hbm4b:s3+s23], $0x20, s9, s23, $0xb8;
	[tilespmem:$0x1E000] =	vst v63  }
0x48: {  	s7 =	simm.s32 $0x260  }
0x49: {  	[tilespmem:s15], [sflag:$0x1] =	stream.indirect.gather [hbm4b:s3+s23], $0x20, s7, s23, $0xb8;
	[tilespmem:$0x1E000] =	vst v63  }
0x4a: {  	s9 =	simm.s32 $0x280  }
0x4b: {  	[tilespmem:s16], [sflag:$0x1] =	stream.indirect.gather [hbm4b:s3+s23], $0x20, s9, s23, $0xb8;
	[tilespmem:$0x1E000] =	vst v63  }
0x4c: {  	s7 =	simm.s32 $0x2A0  }
0x4d: {  	[tilespmem:s17], [sflag:$0x1] =	stream.indirect.gather [hbm4b:s3+s23], $0x20, s7, s23, $0xb8;
	[tilespmem:$0x1E000] =	vst v63  }
0x4e: {  	s9 =	simm.s32 $0x2C0  }
0x4f: {  	[tilespmem:s18], [sflag:$0x1] =	stream.indirect.gather [hbm4b:s3+s23], $0x20, s9, s23, $0xb8;
	[tilespmem:$0x1E000] =	vst v63  }
0x50: {  	s7 =	simm.s32 $0x2E0  }
0x51: {  	[tilespmem:s19], [sflag:$0x1] =	stream.indirect.gather [hbm4b:s3+s23], $0x20, s7, s23, $0xb8;
	[tilespmem:$0x1E000] =	vst v63  }
0x52: {  	s9 =	simm.s32 $0x300  }
0x53: {  	[tilespmem:s20], [sflag:$0x1] =	stream.indirect.gather [hbm4b:s3+s23], $0x20, s9, s23, $0xb8;
	[tilespmem:$0x1E000] =	vst v63  }
0x54: {  	s7 =	simm.s32 $0x320  }
0x55: {  	[tilespmem:s21], [sflag:$0x1] =	stream.indirect.gather [hbm4b:s3+s23], $0x20, s7, s23, $0xb8;
	[tilespmem:$0x1E000] =	vst v63  }
0x56: {  	s9 =	simm.s32 $0x340  }
0x57: {  	[tilespmem:s5], [sflag:$0x1] =	stream.indirect.gather [hbm4b:s3+s23], $0x20, s9, s23, $0xb8;
	[tilespmem:$0x1E000] =	vst v63  }
0x58: {  	s7 =	simm.s32 $0x360  }
0x59: {  	[tilespmem:s22], [sflag:$0x1] =	stream.indirect.gather [hbm4b:s3+s23], $0x20, s7, s23, $0xb8;
	[tilespmem:$0x1E000] =	vst v63  }
0x5a: {  	s9 =	simm.s32 $0x380  }
0x5b: {  	[tilespmem:s26], [sflag:$0x1] =	stream.indirect.gather [hbm4b:s3+s23], $0x20, s9, s23, $0xb8;
	[tilespmem:$0x1E000] =	vst v63  }
0x5c: {  	s7 =	simm.s32 $0x3A0  }
0x5d: {  	[tilespmem:s29], [sflag:$0x1] =	stream.indirect.gather [hbm4b:s3+s23], $0x20, s7, s23, $0xb8;
	[tilespmem:$0x1E000] =	vst v63  }
0x5e: {  	s9 =	simm.s32 $0x3C0  }
0x5f: {  	[tilespmem:s31], [sflag:$0x1] =	stream.indirect.gather [hbm4b:s3+s23], $0x20, s9, s23, $0xb8;
	[tilespmem:$0x1E000] =	vst v63  }
0x60: {  	s7 =	simm.s32 $0x3E0  }
0x61: {  	[tilespmem:s1], [sflag:$0x1] =	stream.indirect.gather [hbm4b:s3+s23], $0x20, s7, s23, $0xb8;
	[tilespmem:$0x1E000] =	vst v63  }
0x62: {  	s6 =	simm.s32 $0x80;
	s9 =	simm.s32 $0x400;
	s7 =	simm.s32 $0xA800  }
0x63: {  	[tilespmem:s8], [sflag:$0x1] =	stream.indirect.gather [hbm4b:s3+s23], $0x20, s9, s23, $0xb8;
	[tilespmem:$0x1E000] =	vst v63  }
.LBB2_2:
0x64: {  	p0 =	sne.s32 s6, $0xF80  }
.Ltmp0:
0x65: {  	_ = 	snop;
	(pc) =	sbr.rel @p0 .LBB2_2-.Ltmp0, $4  }
0x66: {  	_ = 	snop  }
0x67: {  	s8 =	sshra.s32 s6, $0x2;
	s6 =	sadd.s32 $0x80, s6  }
0x68: {  	s7 =	sadd.s32 $0x340, s7;
	s8 =	sadd.s32 $0x400, s8  }
0x69: {  	[tilespmem:s7], [sflag:$0x1] =	stream.indirect.gather [hbm4b:s3+s23], $0x20, s8, s23, $0xb8;
	[tilespmem:$0x1E000] =	vst v63  }
0x6a: {  	_ =	swait.ge [sflag:s28], $0x6800  }
0x6b: {  	[sflag:s28] =	ssyncset.done $0x0  }
0x6c: {  	s6 =	simm.s32 $0x11000;
	s7 =	simm.s32 $0x800;
	[sflag:s28] =	ssyncadd.s32 $0xFFFF9800  }
0x6d: {  	[tilespmem:s6], [sflag:$0x1] =	stream.indirect.gather [hbm4b:s3+s23], $0x20, s7, s23, $0xb8;
	[tilespmem:$0x1E000] =	vst v63  }
0x6e: {  	s7 =	simm.s32 $0x80  }
.LBB2_4:
0x6f: {  	p0 =	sne.s32 s7, $0xF80  }
.Ltmp1:
0x70: {  	_ = 	snop;
	(pc) =	sbr.rel @p0 .LBB2_4-.Ltmp1, $4  }
0x71: {  	_ = 	snop  }
0x72: {  	s8 =	sshra.s32 s7, $0x2;
	s7 =	sadd.s32 $0x80, s7  }
0x73: {  	s6 =	sadd.s32 $0x340, s6;
	s8 =	sadd.s32 $0x800, s8  }
0x74: {  	[tilespmem:s6], [sflag:$0x1] =	stream.indirect.gather [hbm4b:s3+s23], $0x20, s8, s23, $0xb8;
	[tilespmem:$0x1E000] =	vst v63  }
0x75: {  	s6 =	simm.s32 $0x0;
	s7 =	rddreg [dreg:$0x4]  }
0x76: {  	[hbm4b:s7+s6] =	stream.linear.scatter [tilespmem:s24], [sflag:$0x2], $0x6800, $0x38;
	[tilespmem:$0x1E000] =	vst v63  }
0x77: {  	_ =	swait.ge [sflag:s28], $0x6800  }
0x78: {  	s9 =	simm.s32 $0xC00;
	[sflag:s28] =	ssyncset.done $0x0  }
0x79: {  	s6 =	simm.s32 $0x17800;
	s7 =	simm.s32 $0x80;
	[sflag:s28] =	ssyncadd.s32 $0xFFFF9800  }
0x7a: {  	[tilespmem:s6], [sflag:$0x1] =	stream.indirect.gather [hbm4b:s3+s23], $0x20, s9, s23, $0xb8;
	[tilespmem:$0x1E000] =	vst v63  }
.LBB2_6:
0x7b: {  	p0 =	sne.s32 s7, $0xF80  }
.Ltmp2:
0x7c: {  	_ = 	snop;
	(pc) =	sbr.rel @p0 .LBB2_6-.Ltmp2, $4  }
0x7d: {  	_ = 	snop  }
0x7e: {  	s8 =	sshra.s32 s7, $0x2;
	s7 =	sadd.s32 $0x80, s7  }
0x7f: {  	s6 =	sadd.s32 $0x340, s6;
	s8 =	sadd.s32 $0xC00, s8  }
0x80: {  	[tilespmem:s6], [sflag:$0x1] =	stream.indirect.gather [hbm4b:s3+s23], $0x20, s8, s23, $0xb8;
	[tilespmem:$0x1E000] =	vst v63  }
0x81: {  	s7 =	simm.s32 $0x0;
	s6 =	simm.s32 $0xA800;
	s8 =	rddreg [dreg:$0x5]  }
0x82: {  	[hbm4b:s8+s7] =	stream.linear.scatter [tilespmem:s6], [sflag:$0x2], $0x6800, $0x38;
	[tilespmem:$0x1E000] =	vst v63  }
0x83: {  	_ =	swait.ge [sflag:s28], $0x6800  }
0x84: {  	[sflag:s28] =	ssyncset.done $0x0  }
0x85: {  	[sflag:s28] =	ssyncadd.s32 $0xFFFF9800  }
0x86: {  	_ =	swait.ge [sflag:s0], $0x6800  }
0x87: {  	[sflag:s0] =	ssyncset.done $0x0  }
0x88: {  	s9 =	simm.s32 $0x1000;
	[sflag:s0] =	ssyncadd.s32 $0xFFFF9800  }
0x89: {  	[tilespmem:s24], [sflag:$0x1] =	stream.indirect.gather [hbm4b:s3+s23], $0x20, s9, s23, $0xb8;
	[tilespmem:$0x1E000] =	vst v63  }
0x8a: {  	s8 =	simm.s32 $0x4340;
	s9 =	simm.s32 $0x1020  }
0x8b: {  	[tilespmem:s8], [sflag:$0x1] =	stream.indirect.gather [hbm4b:s3+s23], $0x20, s9, s23, $0xb8;
	[tilespmem:$0x1E000] =	vst v63  }
0x8c: {  	s8 =	simm.s32 $0x4680;
	s9 =	simm.s32 $0x1040  }
0x8d: {  	[tilespmem:s8], [sflag:$0x1] =	stream.indirect.gather [hbm4b:s3+s23], $0x20, s9, s23, $0xb8;
	[tilespmem:$0x1E000] =	vst v63  }
0x8e: {  	s8 =	simm.s32 $0x49C0;
	s9 =	simm.s32 $0x1060  }
0x8f: {  	[tilespmem:s8], [sflag:$0x1] =	stream.indirect.gather [hbm4b:s3+s23], $0x20, s9, s23, $0xb8;
	[tilespmem:$0x1E000] =	vst v63  }
0x90: {  	s8 =	simm.s32 $0x4D00;
	s9 =	simm.s32 $0x1080  }
0x91: {  	[tilespmem:s8], [sflag:$0x1] =	stream.indirect.gather [hbm4b:s3+s23], $0x20, s9, s23, $0xb8;
	[tilespmem:$0x1E000] =	vst v63  }
0x92: {  	s8 =	simm.s32 $0x5040;
	s9 =	simm.s32 $0x10A0  }
0x93: {  	[tilespmem:s8], [sflag:$0x1] =	stream.indirect.gather [hbm4b:s3+s23], $0x20, s9, s23, $0xb8;
	[tilespmem:$0x1E000] =	vst v63  }
0x94: {  	s8 =	simm.s32 $0x5380;
	s9 =	simm.s32 $0x10C0  }
0x95: {  	[tilespmem:s8], [sflag:$0x1] =	stream.indirect.gather [hbm4b:s3+s23], $0x20, s9, s23, $0xb8;
	[tilespmem:$0x1E000] =	vst v63  }
0x96: {  	s8 =	simm.s32 $0x56C0;
	s9 =	simm.s32 $0x10E0  }
0x97: {  	[tilespmem:s8], [sflag:$0x1] =	stream.indirect.gather [hbm4b:s3+s23], $0x20, s9, s23, $0xb8;
	[tilespmem:$0x1E000] =	vst v63  }
0x98: {  	s8 =	simm.s32 $0x5A00;
	s9 =	simm.s32 $0x1100  }
0x99: {  	[tilespmem:s8], [sflag:$0x1] =	stream.indirect.gather [hbm4b:s3+s23], $0x20, s9, s23, $0xb8;
	[tilespmem:$0x1E000] =	vst v63  }
0x9a: {  	s8 =	simm.s32 $0x5D40;
	s9 =	simm.s32 $0x1120  }
0x9b: {  	[tilespmem:s8], [sflag:$0x1] =	stream.indirect.gather [hbm4b:s3+s23], $0x20, s9, s23, $0xb8;
	[tilespmem:$0x1E000] =	vst v63  }
0x9c: {  	s8 =	simm.s32 $0x6080;
	s9 =	simm.s32 $0x1140  }
0x9d: {  	[tilespmem:s8], [sflag:$0x1] =	stream.indirect.gather [hbm4b:s3+s23], $0x20, s9, s23, $0xb8;
	[tilespmem:$0x1E000] =	vst v63  }
0x9e: {  	s8 =	simm.s32 $0x63C0;
	s9 =	simm.s32 $0x1160  }
0x9f: {  	[tilespmem:s8], [sflag:$0x1] =	stream.indirect.gather [hbm4b:s3+s23], $0x20, s9, s23, $0xb8;
	[tilespmem:$0x1E000] =	vst v63  }
0xa0: {  	s8 =	simm.s32 $0x6700;
	s9 =	simm.s32 $0x1180  }
0xa1: {  	[tilespmem:s8], [sflag:$0x1] =	stream.indirect.gather [hbm4b:s3+s23], $0x20, s9, s23, $0xb8;
	[tilespmem:$0x1E000] =	vst v63  }
0xa2: {  	s9 =	simm.s32 $0x6A40;
	s8 =	simm.s32 $0x11A0  }
0xa3: {  	[tilespmem:s9], [sflag:$0x1] =	stream.indirect.gather [hbm4b:s3+s23], $0x20, s8, s23, $0xb8;
	[tilespmem:$0x1E000] =	vst v63  }
0xa4: {  	s8 =	simm.s32 $0x11C0  }
0xa5: {  	[tilespmem:s10], [sflag:$0x1] =	stream.indirect.gather [hbm4b:s3+s23], $0x20, s8, s23, $0xb8;
	[tilespmem:$0x1E000] =	vst v63  }
0xa6: {  	s10 =	simm.s32 $0x11E0  }
0xa7: {  	[tilespmem:s11], [sflag:$0x1] =	stream.indirect.gather [hbm4b:s3+s23], $0x20, s10, s23, $0xb8;
	[tilespmem:$0x1E000] =	vst v63  }
0xa8: {  	s10 =	simm.s32 $0x1200  }
0xa9: {  	[tilespmem:s12], [sflag:$0x1] =	stream.indirect.gather [hbm4b:s3+s23], $0x20, s10, s23, $0xb8;
	[tilespmem:$0x1E000] =	vst v63  }
0xaa: {  	s10 =	simm.s32 $0x1220  }
0xab: {  	[tilespmem:s13], [sflag:$0x1] =	stream.indirect.gather [hbm4b:s3+s23], $0x20, s10, s23, $0xb8;
	[tilespmem:$0x1E000] =	vst v63  }
0xac: {  	s10 =	simm.s32 $0x1240  }
0xad: {  	[tilespmem:s14], [sflag:$0x1] =	stream.indirect.gather [hbm4b:s3+s23], $0x20, s10, s23, $0xb8;
	[tilespmem:$0x1E000] =	vst v63  }
0xae: {  	s10 =	simm.s32 $0x1260  }
0xaf: {  	[tilespmem:s15], [sflag:$0x1] =	stream.indirect.gather [hbm4b:s3+s23], $0x20, s10, s23, $0xb8;
	[tilespmem:$0x1E000] =	vst v63  }
0xb0: {  	s10 =	simm.s32 $0x1280  }
0xb1: {  	[tilespmem:s16], [sflag:$0x1] =	stream.indirect.gather [hbm4b:s3+s23], $0x20, s10, s23, $0xb8;
	[tilespmem:$0x1E000] =	vst v63  }
0xb2: {  	s10 =	simm.s32 $0x12A0  }
0xb3: {  	[tilespmem:s17], [sflag:$0x1] =	stream.indirect.gather [hbm4b:s3+s23], $0x20, s10, s23, $0xb8;
	[tilespmem:$0x1E000] =	vst v63  }
0xb4: {  	s10 =	simm.s32 $0x12C0  }
0xb5: {  	[tilespmem:s18], [sflag:$0x1] =	stream.indirect.gather [hbm4b:s3+s23], $0x20, s10, s23, $0xb8;
	[tilespmem:$0x1E000] =	vst v63  }
0xb6: {  	s10 =	simm.s32 $0x12E0  }
0xb7: {  	[tilespmem:s19], [sflag:$0x1] =	stream.indirect.gather [hbm4b:s3+s23], $0x20, s10, s23, $0xb8;
	[tilespmem:$0x1E000] =	vst v63  }
0xb8: {  	s10 =	simm.s32 $0x1300  }
0xb9: {  	[tilespmem:s20], [sflag:$0x1] =	stream.indirect.gather [hbm4b:s3+s23], $0x20, s10, s23, $0xb8;
	[tilespmem:$0x1E000] =	vst v63  }
0xba: {  	s10 =	simm.s32 $0x1320  }
0xbb: {  	[tilespmem:s21], [sflag:$0x1] =	stream.indirect.gather [hbm4b:s3+s23], $0x20, s10, s23, $0xb8;
	[tilespmem:$0x1E000] =	vst v63  }
0xbc: {  	s10 =	simm.s32 $0x1340  }
0xbd: {  	[tilespmem:s5], [sflag:$0x1] =	stream.indirect.gather [hbm4b:s3+s23], $0x20, s10, s23, $0xb8;
	[tilespmem:$0x1E000] =	vst v63  }
0xbe: {  	s10 =	simm.s32 $0x1360  }
0xbf: {  	[tilespmem:s22], [sflag:$0x1] =	stream.indirect.gather [hbm4b:s3+s23], $0x20, s10, s23, $0xb8;
	[tilespmem:$0x1E000] =	vst v63  }
0xc0: {  	s10 =	simm.s32 $0x1380  }
0xc1: {  	[tilespmem:s26], [sflag:$0x1] =	stream.indirect.gather [hbm4b:s3+s23], $0x20, s10, s23, $0xb8;
	[tilespmem:$0x1E000] =	vst v63  }
0xc2: {  	s10 =	simm.s32 $0x13A0  }
0xc3: {  	[tilespmem:s29], [sflag:$0x1] =	stream.indirect.gather [hbm4b:s3+s23], $0x20, s10, s23, $0xb8;
	[tilespmem:$0x1E000] =	vst v63  }
0xc4: {  	s10 =	simm.s32 $0x13C0  }
0xc5: {  	[tilespmem:s31], [sflag:$0x1] =	stream.indirect.gather [hbm4b:s3+s23], $0x20, s10, s23, $0xb8;
	[tilespmem:$0x1E000] =	vst v63  }
0xc6: {  	s10 =	simm.s32 $0x13E0  }
0xc7: {  	[tilespmem:s1], [sflag:$0x1] =	stream.indirect.gather [hbm4b:s3+s23], $0x20, s10, s23, $0xb8;
	[tilespmem:$0x1E000] =	vst v63  }
0xc8: {  	s10 =	rddreg [dreg:$0x6]  }
0xc9: {  	[hbm4b:s10+s7] =	stream.linear.scatter [tilespmem:s30], [sflag:$0x2], $0x6800, $0x38;
	[tilespmem:$0x1E000] =	vst v63  }
0xca: {  	_ =	swait.ge [sflag:s28], $0x6800  }
0xcb: {  	[sflag:s28] =	ssyncset.done $0x0  }
0xcc: {  	[sflag:s28] =	ssyncadd.s32 $0xFFFF9800  }
0xcd: {  	_ =	swait.ge [sflag:s0], $0x6800  }
0xce: {  	[sflag:s0] =	ssyncset.done $0x0  }
0xcf: {  	s10 =	simm.s32 $0x1400;
	s7 =	simm.s32 $0x80;
	[sflag:s0] =	ssyncadd.s32 $0xFFFF9800  }
0xd0: {  	[tilespmem:s6], [sflag:$0x1] =	stream.indirect.gather [hbm4b:s3+s23], $0x20, s10, s23, $0xb8;
	[tilespmem:$0x1E000] =	vst v63  }
.LBB2_8:
0xd1: {  	p0 =	sne.s32 s7, $0xF80  }
.Ltmp3:
0xd2: {  	_ = 	snop;
	(pc) =	sbr.rel @p0 .LBB2_8-.Ltmp3, $4  }
0xd3: {  	_ = 	snop  }
0xd4: {  	s8 =	sshra.s32 s7, $0x2;
	s7 =	sadd.s32 $0x80, s7  }
0xd5: {  	s6 =	sadd.s32 $0x340, s6;
	s8 =	sadd.s32 $0x1400, s8  }
0xd6: {  	[tilespmem:s6], [sflag:$0x1] =	stream.indirect.gather [hbm4b:s3+s23], $0x20, s8, s23, $0xb8;
	[tilespmem:$0x1E000] =	vst v63  }
0xd7: {  	s6 =	simm.s32 $0x0;
	s7 =	rddreg [dreg:$0x7]  }
0xd8: {  	[hbm4b:s7+s6] =	stream.linear.scatter [tilespmem:s25], [sflag:$0x2], $0x6800, $0x38;
	[tilespmem:$0x1E000] =	vst v63  }
0xd9: {  	_ =	swait.ge [sflag:s28], $0x6800  }
0xda: {  	[sflag:s28] =	ssyncset.done $0x0  }
0xdb: {  	[sflag:s28] =	ssyncadd.s32 $0xFFFF9800  }
0xdc: {  	_ =	swait.ge [sflag:s0], $0x6800  }
0xdd: {  	s10 =	simm.s32 $0x1800;
	[sflag:s0] =	ssyncset.done $0x0  }
0xde: {  	s6 =	simm.s32 $0x11000;
	s7 =	simm.s32 $0x80;
	[sflag:s0] =	ssyncadd.s32 $0xFFFF9800  }
0xdf: {  	[tilespmem:s6], [sflag:$0x1] =	stream.indirect.gather [hbm4b:s3+s23], $0x20, s10, s23, $0xb8;
	[tilespmem:$0x1E000] =	vst v63  }
.LBB2_10:
0xe0: {  	p0 =	sne.s32 s7, $0xF80  }
.Ltmp4:
0xe1: {  	_ = 	snop;
	(pc) =	sbr.rel @p0 .LBB2_10-.Ltmp4, $4  }
0xe2: {  	_ = 	snop  }
0xe3: {  	s8 =	sshra.s32 s7, $0x2;
	s7 =	sadd.s32 $0x80, s7  }
0xe4: {  	s6 =	sadd.s32 $0x340, s6;
	s8 =	sadd.s32 $0x1800, s8  }
0xe5: {  	[tilespmem:s6], [sflag:$0x1] =	stream.indirect.gather [hbm4b:s3+s23], $0x20, s8, s23, $0xb8;
	[tilespmem:$0x1E000] =	vst v63  }
0xe6: {  	s6 =	simm.s32 $0x0;
	s7 =	rddreg [dreg:$0x8]  }
0xe7: {  	[hbm4b:s7+s6] =	stream.linear.scatter [tilespmem:s24], [sflag:$0x2], $0x6800, $0x38;
	[tilespmem:$0x1E000] =	vst v63  }
0xe8: {  	_ =	swait.ge [sflag:s28], $0x6800  }
0xe9: {  	[sflag:s28] =	ssyncset.done $0x0  }
0xea: {  	[sflag:s28] =	ssyncadd.s32 $0xFFFF9800  }
0xeb: {  	_ =	swait.ge [sflag:s0], $0x6800  }
0xec: {  	s10 =	simm.s32 $0x1C00;
	[sflag:s0] =	ssyncset.done $0x0  }
0xed: {  	s6 =	simm.s32 $0x17800;
	s7 =	simm.s32 $0x80;
	[sflag:s0] =	ssyncadd.s32 $0xFFFF9800  }
0xee: {  	[tilespmem:s6], [sflag:$0x1] =	stream.indirect.gather [hbm4b:s3+s23], $0x20, s10, s23, $0xb8;
	[tilespmem:$0x1E000] =	vst v63  }
.LBB2_12:
0xef: {  	p0 =	sne.s32 s7, $0xF80  }
.Ltmp5:
0xf0: {  	_ = 	snop;
	(pc) =	sbr.rel @p0 .LBB2_12-.Ltmp5, $4  }
0xf1: {  	_ = 	snop  }
0xf2: {  	s8 =	sshra.s32 s7, $0x2;
	s7 =	sadd.s32 $0x80, s7  }
0xf3: {  	s6 =	sadd.s32 $0x340, s6;
	s8 =	sadd.s32 $0x1C00, s8  }
0xf4: {  	[tilespmem:s6], [sflag:$0x1] =	stream.indirect.gather [hbm4b:s3+s23], $0x20, s8, s23, $0xb8;
	[tilespmem:$0x1E000] =	vst v63  }
0xf5: {  	s7 =	simm.s32 $0x0;
	s6 =	simm.s32 $0xA800;
	s8 =	rddreg [dreg:$0x9]  }
0xf6: {  	[hbm4b:s8+s7] =	stream.linear.scatter [tilespmem:s6], [sflag:$0x2], $0x6800, $0x38;
	[tilespmem:$0x1E000] =	vst v63  }
0xf7: {  	_ =	swait.ge [sflag:s28], $0x6800  }
0xf8: {  	[sflag:s28] =	ssyncset.done $0x0  }
0xf9: {  	[sflag:s28] =	ssyncadd.s32 $0xFFFF9800  }
0xfa: {  	_ =	swait.ge [sflag:s0], $0x6800  }
0xfb: {  	[sflag:s0] =	ssyncset.done $0x0  }
0xfc: {  	s10 =	simm.s32 $0x2000;
	[sflag:s0] =	ssyncadd.s32 $0xFFFF9800  }
0xfd: {  	[tilespmem:s24], [sflag:$0x1] =	stream.indirect.gather [hbm4b:s3+s23], $0x20, s10, s23, $0xb8;
	[tilespmem:$0x1E000] =	vst v63  }
0xfe: {  	s8 =	simm.s32 $0x4340;
	s10 =	simm.s32 $0x2020  }
0xff: {  	[tilespmem:s8], [sflag:$0x1] =	stream.indirect.gather [hbm4b:s3+s23], $0x20, s10, s23, $0xb8;
	[tilespmem:$0x1E000] =	vst v63  }
0x100: {  	s8 =	simm.s32 $0x4680;
	s10 =	simm.s32 $0x2040  }
0x101: {  	[tilespmem:s8], [sflag:$0x1] =	stream.indirect.gather [hbm4b:s3+s23], $0x20, s10, s23, $0xb8;
	[tilespmem:$0x1E000] =	vst v63  }
0x102: {  	s8 =	simm.s32 $0x49C0;
	s10 =	simm.s32 $0x2060  }
0x103: {  	[tilespmem:s8], [sflag:$0x1] =	stream.indirect.gather [hbm4b:s3+s23], $0x20, s10, s23, $0xb8;
	[tilespmem:$0x1E000] =	vst v63  }
0x104: {  	s8 =	simm.s32 $0x4D00;
	s10 =	simm.s32 $0x2080  }
0x105: {  	[tilespmem:s8], [sflag:$0x1] =	stream.indirect.gather [hbm4b:s3+s23], $0x20, s10, s23, $0xb8;
	[tilespmem:$0x1E000] =	vst v63  }
0x106: {  	s8 =	simm.s32 $0x5040;
	s10 =	simm.s32 $0x20A0  }
0x107: {  	[tilespmem:s8], [sflag:$0x1] =	stream.indirect.gather [hbm4b:s3+s23], $0x20, s10, s23, $0xb8;
	[tilespmem:$0x1E000] =	vst v63  }
0x108: {  	s8 =	simm.s32 $0x5380;
	s10 =	simm.s32 $0x20C0  }
0x109: {  	[tilespmem:s8], [sflag:$0x1] =	stream.indirect.gather [hbm4b:s3+s23], $0x20, s10, s23, $0xb8;
	[tilespmem:$0x1E000] =	vst v63  }
0x10a: {  	s8 =	simm.s32 $0x56C0;
	s10 =	simm.s32 $0x20E0  }
0x10b: {  	[tilespmem:s8], [sflag:$0x1] =	stream.indirect.gather [hbm4b:s3+s23], $0x20, s10, s23, $0xb8;
	[tilespmem:$0x1E000] =	vst v63  }
0x10c: {  	s8 =	simm.s32 $0x5A00;
	s10 =	simm.s32 $0x2100  }
0x10d: {  	[tilespmem:s8], [sflag:$0x1] =	stream.indirect.gather [hbm4b:s3+s23], $0x20, s10, s23, $0xb8;
	[tilespmem:$0x1E000] =	vst v63  }
0x10e: {  	s8 =	simm.s32 $0x5D40;
	s10 =	simm.s32 $0x2120  }
0x10f: {  	[tilespmem:s8], [sflag:$0x1] =	stream.indirect.gather [hbm4b:s3+s23], $0x20, s10, s23, $0xb8;
	[tilespmem:$0x1E000] =	vst v63  }
0x110: {  	s8 =	simm.s32 $0x6080;
	s10 =	simm.s32 $0x2140  }
0x111: {  	[tilespmem:s8], [sflag:$0x1] =	stream.indirect.gather [hbm4b:s3+s23], $0x20, s10, s23, $0xb8;
	[tilespmem:$0x1E000] =	vst v63  }
0x112: {  	s8 =	simm.s32 $0x63C0;
	s10 =	simm.s32 $0x2160  }
0x113: {  	[tilespmem:s8], [sflag:$0x1] =	stream.indirect.gather [hbm4b:s3+s23], $0x20, s10, s23, $0xb8;
	[tilespmem:$0x1E000] =	vst v63  }
0x114: {  	s8 =	simm.s32 $0x6700;
	s10 =	simm.s32 $0x2180  }
0x115: {  	[tilespmem:s8], [sflag:$0x1] =	stream.indirect.gather [hbm4b:s3+s23], $0x20, s10, s23, $0xb8;
	[tilespmem:$0x1E000] =	vst v63  }
0x116: {  	s10 =	simm.s32 $0x21A0  }
0x117: {  	[tilespmem:s9], [sflag:$0x1] =	stream.indirect.gather [hbm4b:s3+s23], $0x20, s10, s23, $0xb8;
	[tilespmem:$0x1E000] =	vst v63  }
0x118: {  	s8 =	simm.s32 $0x21C0;
	s10 =	simm.s32 $0x6D80  }
0x119: {  	[tilespmem:s10], [sflag:$0x1] =	stream.indirect.gather [hbm4b:s3+s23], $0x20, s8, s23, $0xb8;
	[tilespmem:$0x1E000] =	vst v63  }
0x11a: {  	s8 =	simm.s32 $0x21E0  }
0x11b: {  	[tilespmem:s11], [sflag:$0x1] =	stream.indirect.gather [hbm4b:s3+s23], $0x20, s8, s23, $0xb8;
	[tilespmem:$0x1E000] =	vst v63  }
0x11c: {  	s11 =	simm.s32 $0x2200  }
0x11d: {  	[tilespmem:s12], [sflag:$0x1] =	stream.indirect.gather [hbm4b:s3+s23], $0x20, s11, s23, $0xb8;
	[tilespmem:$0x1E000] =	vst v63  }
0x11e: {  	s11 =	simm.s32 $0x2220  }
0x11f: {  	[tilespmem:s13], [sflag:$0x1] =	stream.indirect.gather [hbm4b:s3+s23], $0x20, s11, s23, $0xb8;
	[tilespmem:$0x1E000] =	vst v63  }
0x120: {  	s11 =	simm.s32 $0x2240  }
0x121: {  	[tilespmem:s14], [sflag:$0x1] =	stream.indirect.gather [hbm4b:s3+s23], $0x20, s11, s23, $0xb8;
	[tilespmem:$0x1E000] =	vst v63  }
0x122: {  	s11 =	simm.s32 $0x2260  }
0x123: {  	[tilespmem:s15], [sflag:$0x1] =	stream.indirect.gather [hbm4b:s3+s23], $0x20, s11, s23, $0xb8;
	[tilespmem:$0x1E000] =	vst v63  }
0x124: {  	s11 =	simm.s32 $0x2280  }
0x125: {  	[tilespmem:s16], [sflag:$0x1] =	stream.indirect.gather [hbm4b:s3+s23], $0x20, s11, s23, $0xb8;
	[tilespmem:$0x1E000] =	vst v63  }
0x126: {  	s11 =	simm.s32 $0x22A0  }
0x127: {  	[tilespmem:s17], [sflag:$0x1] =	stream.indirect.gather [hbm4b:s3+s23], $0x20, s11, s23, $0xb8;
	[tilespmem:$0x1E000] =	vst v63  }
0x128: {  	s11 =	simm.s32 $0x22C0  }
0x129: {  	[tilespmem:s18], [sflag:$0x1] =	stream.indirect.gather [hbm4b:s3+s23], $0x20, s11, s23, $0xb8;
	[tilespmem:$0x1E000] =	vst v63  }
0x12a: {  	s11 =	simm.s32 $0x22E0  }
0x12b: {  	[tilespmem:s19], [sflag:$0x1] =	stream.indirect.gather [hbm4b:s3+s23], $0x20, s11, s23, $0xb8;
	[tilespmem:$0x1E000] =	vst v63  }
0x12c: {  	s11 =	simm.s32 $0x2300  }
0x12d: {  	[tilespmem:s20], [sflag:$0x1] =	stream.indirect.gather [hbm4b:s3+s23], $0x20, s11, s23, $0xb8;
	[tilespmem:$0x1E000] =	vst v63  }
0x12e: {  	s11 =	simm.s32 $0x2320  }
0x12f: {  	[tilespmem:s21], [sflag:$0x1] =	stream.indirect.gather [hbm4b:s3+s23], $0x20, s11, s23, $0xb8;
	[tilespmem:$0x1E000] =	vst v63  }
0x130: {  	s11 =	simm.s32 $0x2340  }
0x131: {  	[tilespmem:s5], [sflag:$0x1] =	stream.indirect.gather [hbm4b:s3+s23], $0x20, s11, s23, $0xb8;
	[tilespmem:$0x1E000] =	vst v63  }
0x132: {  	s11 =	simm.s32 $0x2360  }
0x133: {  	[tilespmem:s22], [sflag:$0x1] =	stream.indirect.gather [hbm4b:s3+s23], $0x20, s11, s23, $0xb8;
	[tilespmem:$0x1E000] =	vst v63  }
0x134: {  	s11 =	simm.s32 $0x2380  }
0x135: {  	[tilespmem:s26], [sflag:$0x1] =	stream.indirect.gather [hbm4b:s3+s23], $0x20, s11, s23, $0xb8;
	[tilespmem:$0x1E000] =	vst v63  }
0x136: {  	s11 =	simm.s32 $0x23A0  }
0x137: {  	[tilespmem:s29], [sflag:$0x1] =	stream.indirect.gather [hbm4b:s3+s23], $0x20, s11, s23, $0xb8;
	[tilespmem:$0x1E000] =	vst v63  }
0x138: {  	s11 =	simm.s32 $0x23C0  }
0x139: {  	[tilespmem:s31], [sflag:$0x1] =	stream.indirect.gather [hbm4b:s3+s23], $0x20, s11, s23, $0xb8;
	[tilespmem:$0x1E000] =	vst v63  }
0x13a: {  	s11 =	simm.s32 $0x23E0  }
0x13b: {  	[tilespmem:s1], [sflag:$0x1] =	stream.indirect.gather [hbm4b:s3+s23], $0x20, s11, s23, $0xb8;
	[tilespmem:$0x1E000] =	vst v63  }
0x13c: {  	s11 =	rddreg [dreg:$0xa]  }
0x13d: {  	[hbm4b:s11+s7] =	stream.linear.scatter [tilespmem:s30], [sflag:$0x2], $0x6800, $0x38;
	[tilespmem:$0x1E000] =	vst v63  }
0x13e: {  	_ =	swait.ge [sflag:s28], $0x6800  }
0x13f: {  	[sflag:s28] =	ssyncset.done $0x0  }
0x140: {  	[sflag:s28] =	ssyncadd.s32 $0xFFFF9800  }
0x141: {  	_ =	swait.ge [sflag:s0], $0x6800  }
0x142: {  	[sflag:s0] =	ssyncset.done $0x0  }
0x143: {  	s11 =	simm.s32 $0x2400;
	s7 =	simm.s32 $0x80;
	[sflag:s0] =	ssyncadd.s32 $0xFFFF9800  }
0x144: {  	[tilespmem:s6], [sflag:$0x1] =	stream.indirect.gather [hbm4b:s3+s23], $0x20, s11, s23, $0xb8;
	[tilespmem:$0x1E000] =	vst v63  }
.LBB2_14:
0x145: {  	p0 =	sne.s32 s7, $0xF80  }
.Ltmp6:
0x146: {  	_ = 	snop;
	(pc) =	sbr.rel @p0 .LBB2_14-.Ltmp6, $4  }
0x147: {  	_ = 	snop  }
0x148: {  	s8 =	sshra.s32 s7, $0x2;
	s7 =	sadd.s32 $0x80, s7  }
0x149: {  	s6 =	sadd.s32 $0x340, s6;
	s8 =	sadd.s32 $0x2400, s8  }
0x14a: {  	[tilespmem:s6], [sflag:$0x1] =	stream.indirect.gather [hbm4b:s3+s23], $0x20, s8, s23, $0xb8;
	[tilespmem:$0x1E000] =	vst v63  }
0x14b: {  	s6 =	simm.s32 $0x0;
	s7 =	rddreg [dreg:$0xb]  }
0x14c: {  	[hbm4b:s7+s6] =	stream.linear.scatter [tilespmem:s25], [sflag:$0x2], $0x6800, $0x38;
	[tilespmem:$0x1E000] =	vst v63  }
0x14d: {  	_ =	swait.ge [sflag:s28], $0x6800  }
0x14e: {  	[sflag:s28] =	ssyncset.done $0x0  }
0x14f: {  	[sflag:s28] =	ssyncadd.s32 $0xFFFF9800  }
0x150: {  	_ =	swait.ge [sflag:s0], $0x6800  }
0x151: {  	s11 =	simm.s32 $0x2800;
	[sflag:s0] =	ssyncset.done $0x0  }
0x152: {  	s6 =	simm.s32 $0x11000;
	s7 =	simm.s32 $0x80;
	[sflag:s0] =	ssyncadd.s32 $0xFFFF9800  }
0x153: {  	[tilespmem:s6], [sflag:$0x1] =	stream.indirect.gather [hbm4b:s3+s23], $0x20, s11, s23, $0xb8;
	[tilespmem:$0x1E000] =	vst v63  }
.LBB2_16:
0x154: {  	p0 =	sne.s32 s7, $0xF80  }
.Ltmp7:
0x155: {  	_ = 	snop;
	(pc) =	sbr.rel @p0 .LBB2_16-.Ltmp7, $4  }
0x156: {  	_ = 	snop  }
0x157: {  	s8 =	sshra.s32 s7, $0x2;
	s7 =	sadd.s32 $0x80, s7  }
0x158: {  	s6 =	sadd.s32 $0x340, s6;
	s8 =	sadd.s32 $0x2800, s8  }
0x159: {  	[tilespmem:s6], [sflag:$0x1] =	stream.indirect.gather [hbm4b:s3+s23], $0x20, s8, s23, $0xb8;
	[tilespmem:$0x1E000] =	vst v63  }
0x15a: {  	s6 =	simm.s32 $0x0;
	s7 =	rddreg [dreg:$0xc]  }
0x15b: {  	[hbm4b:s7+s6] =	stream.linear.scatter [tilespmem:s24], [sflag:$0x2], $0x6800, $0x38;
	[tilespmem:$0x1E000] =	vst v63  }
0x15c: {  	_ =	swait.ge [sflag:s28], $0x6800  }
0x15d: {  	[sflag:s28] =	ssyncset.done $0x0  }
0x15e: {  	[sflag:s28] =	ssyncadd.s32 $0xFFFF9800  }
0x15f: {  	_ =	swait.ge [sflag:s0], $0x6800  }
0x160: {  	s11 =	simm.s32 $0x2C00;
	[sflag:s0] =	ssyncset.done $0x0  }
0x161: {  	s6 =	simm.s32 $0x17800;
	s7 =	simm.s32 $0x80;
	[sflag:s0] =	ssyncadd.s32 $0xFFFF9800  }
0x162: {  	[tilespmem:s6], [sflag:$0x1] =	stream.indirect.gather [hbm4b:s3+s23], $0x20, s11, s23, $0xb8;
	[tilespmem:$0x1E000] =	vst v63  }
.LBB2_18:
0x163: {  	p0 =	sne.s32 s7, $0xF80  }
.Ltmp8:
0x164: {  	_ = 	snop;
	(pc) =	sbr.rel @p0 .LBB2_18-.Ltmp8, $4  }
0x165: {  	_ = 	snop  }
0x166: {  	s8 =	sshra.s32 s7, $0x2;
	s7 =	sadd.s32 $0x80, s7  }
0x167: {  	s6 =	sadd.s32 $0x340, s6;
	s8 =	sadd.s32 $0x2C00, s8  }
0x168: {  	[tilespmem:s6], [sflag:$0x1] =	stream.indirect.gather [hbm4b:s3+s23], $0x20, s8, s23, $0xb8;
	[tilespmem:$0x1E000] =	vst v63  }
0x169: {  	s7 =	simm.s32 $0x0;
	s6 =	simm.s32 $0xA800;
	s8 =	rddreg [dreg:$0xd]  }
0x16a: {  	[hbm4b:s8+s7] =	stream.linear.scatter [tilespmem:s6], [sflag:$0x2], $0x6800, $0x38;
	[tilespmem:$0x1E000] =	vst v63  }
0x16b: {  	_ =	swait.ge [sflag:s28], $0x6800  }
0x16c: {  	[sflag:s28] =	ssyncset.done $0x0  }
0x16d: {  	[sflag:s28] =	ssyncadd.s32 $0xFFFF9800  }
0x16e: {  	_ =	swait.ge [sflag:s0], $0x6800  }
0x16f: {  	[sflag:s0] =	ssyncset.done $0x0  }
0x170: {  	s11 =	simm.s32 $0x3000;
	[sflag:s0] =	ssyncadd.s32 $0xFFFF9800  }
0x171: {  	[tilespmem:s24], [sflag:$0x1] =	stream.indirect.gather [hbm4b:s3+s23], $0x20, s11, s23, $0xb8;
	[tilespmem:$0x1E000] =	vst v63  }
0x172: {  	s8 =	simm.s32 $0x4340;
	s11 =	simm.s32 $0x3020  }
0x173: {  	[tilespmem:s8], [sflag:$0x1] =	stream.indirect.gather [hbm4b:s3+s23], $0x20, s11, s23, $0xb8;
	[tilespmem:$0x1E000] =	vst v63  }
0x174: {  	s8 =	simm.s32 $0x4680;
	s11 =	simm.s32 $0x3040  }
0x175: {  	[tilespmem:s8], [sflag:$0x1] =	stream.indirect.gather [hbm4b:s3+s23], $0x20, s11, s23, $0xb8;
	[tilespmem:$0x1E000] =	vst v63  }
0x176: {  	s8 =	simm.s32 $0x49C0;
	s11 =	simm.s32 $0x3060  }
0x177: {  	[tilespmem:s8], [sflag:$0x1] =	stream.indirect.gather [hbm4b:s3+s23], $0x20, s11, s23, $0xb8;
	[tilespmem:$0x1E000] =	vst v63  }
0x178: {  	s8 =	simm.s32 $0x4D00;
	s11 =	simm.s32 $0x3080  }
0x179: {  	[tilespmem:s8], [sflag:$0x1] =	stream.indirect.gather [hbm4b:s3+s23], $0x20, s11, s23, $0xb8;
	[tilespmem:$0x1E000] =	vst v63  }
0x17a: {  	s8 =	simm.s32 $0x5040;
	s11 =	simm.s32 $0x30A0  }
0x17b: {  	[tilespmem:s8], [sflag:$0x1] =	stream.indirect.gather [hbm4b:s3+s23], $0x20, s11, s23, $0xb8;
	[tilespmem:$0x1E000] =	vst v63  }
0x17c: {  	s8 =	simm.s32 $0x5380;
	s11 =	simm.s32 $0x30C0  }
0x17d: {  	[tilespmem:s8], [sflag:$0x1] =	stream.indirect.gather [hbm4b:s3+s23], $0x20, s11, s23, $0xb8;
	[tilespmem:$0x1E000] =	vst v63  }
0x17e: {  	s8 =	simm.s32 $0x56C0;
	s11 =	simm.s32 $0x30E0  }
0x17f: {  	[tilespmem:s8], [sflag:$0x1] =	stream.indirect.gather [hbm4b:s3+s23], $0x20, s11, s23, $0xb8;
	[tilespmem:$0x1E000] =	vst v63  }
0x180: {  	s8 =	simm.s32 $0x5A00;
	s11 =	simm.s32 $0x3100  }
0x181: {  	[tilespmem:s8], [sflag:$0x1] =	stream.indirect.gather [hbm4b:s3+s23], $0x20, s11, s23, $0xb8;
	[tilespmem:$0x1E000] =	vst v63  }
0x182: {  	s8 =	simm.s32 $0x5D40;
	s11 =	simm.s32 $0x3120  }
0x183: {  	[tilespmem:s8], [sflag:$0x1] =	stream.indirect.gather [hbm4b:s3+s23], $0x20, s11, s23, $0xb8;
	[tilespmem:$0x1E000] =	vst v63  }
0x184: {  	s8 =	simm.s32 $0x6080;
	s11 =	simm.s32 $0x3140  }
0x185: {  	[tilespmem:s8], [sflag:$0x1] =	stream.indirect.gather [hbm4b:s3+s23], $0x20, s11, s23, $0xb8;
	[tilespmem:$0x1E000] =	vst v63  }
0x186: {  	s8 =	simm.s32 $0x63C0;
	s11 =	simm.s32 $0x3160  }
0x187: {  	[tilespmem:s8], [sflag:$0x1] =	stream.indirect.gather [hbm4b:s3+s23], $0x20, s11, s23, $0xb8;
	[tilespmem:$0x1E000] =	vst v63  }
0x188: {  	s8 =	simm.s32 $0x6700;
	s11 =	simm.s32 $0x3180  }
0x189: {  	[tilespmem:s8], [sflag:$0x1] =	stream.indirect.gather [hbm4b:s3+s23], $0x20, s11, s23, $0xb8;
	[tilespmem:$0x1E000] =	vst v63  }
0x18a: {  	s11 =	simm.s32 $0x31A0  }
0x18b: {  	[tilespmem:s9], [sflag:$0x1] =	stream.indirect.gather [hbm4b:s3+s23], $0x20, s11, s23, $0xb8;
	[tilespmem:$0x1E000] =	vst v63  }
0x18c: {  	s11 =	simm.s32 $0x31C0  }
0x18d: {  	[tilespmem:s10], [sflag:$0x1] =	stream.indirect.gather [hbm4b:s3+s23], $0x20, s11, s23, $0xb8;
	[tilespmem:$0x1E000] =	vst v63  }
0x18e: {  	s8 =	simm.s32 $0x31E0;
	s11 =	simm.s32 $0x70C0  }
0x18f: {  	[tilespmem:s11], [sflag:$0x1] =	stream.indirect.gather [hbm4b:s3+s23], $0x20, s8, s23, $0xb8;
	[tilespmem:$0x1E000] =	vst v63  }
0x190: {  	s8 =	simm.s32 $0x3200  }
0x191: {  	[tilespmem:s12], [sflag:$0x1] =	stream.indirect.gather [hbm4b:s3+s23], $0x20, s8, s23, $0xb8;
	[tilespmem:$0x1E000] =	vst v63  }
0x192: {  	s8 =	simm.s32 $0x3220  }
0x193: {  	[tilespmem:s13], [sflag:$0x1] =	stream.indirect.gather [hbm4b:s3+s23], $0x20, s8, s23, $0xb8;
	[tilespmem:$0x1E000] =	vst v63  }
0x194: {  	s8 =	simm.s32 $0x3240  }
0x195: {  	[tilespmem:s14], [sflag:$0x1] =	stream.indirect.gather [hbm4b:s3+s23], $0x20, s8, s23, $0xb8;
	[tilespmem:$0x1E000] =	vst v63  }
0x196: {  	s8 =	simm.s32 $0x3260  }
0x197: {  	[tilespmem:s15], [sflag:$0x1] =	stream.indirect.gather [hbm4b:s3+s23], $0x20, s8, s23, $0xb8;
	[tilespmem:$0x1E000] =	vst v63  }
0x198: {  	s8 =	simm.s32 $0x3280  }
0x199: {  	[tilespmem:s16], [sflag:$0x1] =	stream.indirect.gather [hbm4b:s3+s23], $0x20, s8, s23, $0xb8;
	[tilespmem:$0x1E000] =	vst v63  }
0x19a: {  	s8 =	simm.s32 $0x32A0  }
0x19b: {  	[tilespmem:s17], [sflag:$0x1] =	stream.indirect.gather [hbm4b:s3+s23], $0x20, s8, s23, $0xb8;
	[tilespmem:$0x1E000] =	vst v63  }
0x19c: {  	s8 =	simm.s32 $0x32C0  }
0x19d: {  	[tilespmem:s18], [sflag:$0x1] =	stream.indirect.gather [hbm4b:s3+s23], $0x20, s8, s23, $0xb8;
	[tilespmem:$0x1E000] =	vst v63  }
0x19e: {  	s8 =	simm.s32 $0x32E0  }
0x19f: {  	[tilespmem:s19], [sflag:$0x1] =	stream.indirect.gather [hbm4b:s3+s23], $0x20, s8, s23, $0xb8;
	[tilespmem:$0x1E000] =	vst v63  }
0x1a0: {  	s8 =	simm.s32 $0x3300  }
0x1a1: {  	[tilespmem:s20], [sflag:$0x1] =	stream.indirect.gather [hbm4b:s3+s23], $0x20, s8, s23, $0xb8;
	[tilespmem:$0x1E000] =	vst v63  }
0x1a2: {  	s8 =	simm.s32 $0x3320  }
0x1a3: {  	[tilespmem:s21], [sflag:$0x1] =	stream.indirect.gather [hbm4b:s3+s23], $0x20, s8, s23, $0xb8;
	[tilespmem:$0x1E000] =	vst v63  }
0x1a4: {  	s8 =	simm.s32 $0x3340  }
0x1a5: {  	[tilespmem:s5], [sflag:$0x1] =	stream.indirect.gather [hbm4b:s3+s23], $0x20, s8, s23, $0xb8;
	[tilespmem:$0x1E000] =	vst v63  }
0x1a6: {  	s8 =	simm.s32 $0x3360  }
0x1a7: {  	[tilespmem:s22], [sflag:$0x1] =	stream.indirect.gather [hbm4b:s3+s23], $0x20, s8, s23, $0xb8;
	[tilespmem:$0x1E000] =	vst v63  }
0x1a8: {  	s8 =	simm.s32 $0x3380  }
0x1a9: {  	[tilespmem:s26], [sflag:$0x1] =	stream.indirect.gather [hbm4b:s3+s23], $0x20, s8, s23, $0xb8;
	[tilespmem:$0x1E000] =	vst v63  }
0x1aa: {  	s8 =	simm.s32 $0x33A0  }
0x1ab: {  	[tilespmem:s29], [sflag:$0x1] =	stream.indirect.gather [hbm4b:s3+s23], $0x20, s8, s23, $0xb8;
	[tilespmem:$0x1E000] =	vst v63  }
0x1ac: {  	s8 =	simm.s32 $0x33C0  }
0x1ad: {  	[tilespmem:s31], [sflag:$0x1] =	stream.indirect.gather [hbm4b:s3+s23], $0x20, s8, s23, $0xb8;
	[tilespmem:$0x1E000] =	vst v63  }
0x1ae: {  	s8 =	simm.s32 $0x33E0  }
0x1af: {  	[tilespmem:s1], [sflag:$0x1] =	stream.indirect.gather [hbm4b:s3+s23], $0x20, s8, s23, $0xb8;
	[tilespmem:$0x1E000] =	vst v63  }
0x1b0: {  	s8 =	rddreg [dreg:$0xe]  }
0x1b1: {  	[hbm4b:s8+s7] =	stream.linear.scatter [tilespmem:s30], [sflag:$0x2], $0x6800, $0x38;
	[tilespmem:$0x1E000] =	vst v63  }
0x1b2: {  	_ =	swait.ge [sflag:s28], $0x6800  }
0x1b3: {  	[sflag:s28] =	ssyncset.done $0x0  }
0x1b4: {  	[sflag:s28] =	ssyncadd.s32 $0xFFFF9800  }
0x1b5: {  	_ =	swait.ge [sflag:s0], $0x6800  }
0x1b6: {  	[sflag:s0] =	ssyncset.done $0x0  }
0x1b7: {  	s8 =	simm.s32 $0x3400;
	s7 =	simm.s32 $0x80;
	[sflag:s0] =	ssyncadd.s32 $0xFFFF9800  }
0x1b8: {  	[tilespmem:s6], [sflag:$0x1] =	stream.indirect.gather [hbm4b:s3+s23], $0x20, s8, s23, $0xb8;
	[tilespmem:$0x1E000] =	vst v63  }
.LBB2_20:
0x1b9: {  	p0 =	sne.s32 s7, $0xF80  }
.Ltmp9:
0x1ba: {  	_ = 	snop;
	(pc) =	sbr.rel @p0 .LBB2_20-.Ltmp9, $4  }
0x1bb: {  	_ = 	snop  }
0x1bc: {  	s8 =	sshra.s32 s7, $0x2;
	s7 =	sadd.s32 $0x80, s7  }
0x1bd: {  	s6 =	sadd.s32 $0x340, s6;
	s8 =	sadd.s32 $0x3400, s8  }
0x1be: {  	[tilespmem:s6], [sflag:$0x1] =	stream.indirect.gather [hbm4b:s3+s23], $0x20, s8, s23, $0xb8;
	[tilespmem:$0x1E000] =	vst v63  }
0x1bf: {  	s6 =	simm.s32 $0x0;
	s7 =	rddreg [dreg:$0xf]  }
0x1c0: {  	[hbm4b:s7+s6] =	stream.linear.scatter [tilespmem:s25], [sflag:$0x2], $0x6800, $0x38;
	[tilespmem:$0x1E000] =	vst v63  }
0x1c1: {  	_ =	swait.ge [sflag:s28], $0x6800  }
0x1c2: {  	[sflag:s28] =	ssyncset.done $0x0  }
0x1c3: {  	[sflag:s28] =	ssyncadd.s32 $0xFFFF9800  }
0x1c4: {  	_ =	swait.ge [sflag:s0], $0x6800  }
0x1c5: {  	s8 =	simm.s32 $0x3800;
	[sflag:s0] =	ssyncset.done $0x0  }
0x1c6: {  	s6 =	simm.s32 $0x11000;
	s7 =	simm.s32 $0x80;
	[sflag:s0] =	ssyncadd.s32 $0xFFFF9800  }
0x1c7: {  	[tilespmem:s6], [sflag:$0x1] =	stream.indirect.gather [hbm4b:s3+s23], $0x20, s8, s23, $0xb8;
	[tilespmem:$0x1E000] =	vst v63  }
.LBB2_22:
0x1c8: {  	p0 =	sne.s32 s7, $0xF80  }
.Ltmp10:
0x1c9: {  	_ = 	snop;
	(pc) =	sbr.rel @p0 .LBB2_22-.Ltmp10, $4  }
0x1ca: {  	_ = 	snop  }
0x1cb: {  	s8 =	sshra.s32 s7, $0x2;
	s7 =	sadd.s32 $0x80, s7  }
0x1cc: {  	s6 =	sadd.s32 $0x340, s6;
	s8 =	sadd.s32 $0x3800, s8  }
0x1cd: {  	[tilespmem:s6], [sflag:$0x1] =	stream.indirect.gather [hbm4b:s3+s23], $0x20, s8, s23, $0xb8;
	[tilespmem:$0x1E000] =	vst v63  }
0x1ce: {  	s6 =	simm.s32 $0x0;
	s7 =	rddreg [dreg:$0x10]  }
0x1cf: {  	[hbm4b:s7+s6] =	stream.linear.scatter [tilespmem:s24], [sflag:$0x2], $0x6800, $0x38;
	[tilespmem:$0x1E000] =	vst v63  }
0x1d0: {  	_ =	swait.ge [sflag:s28], $0x6800  }
0x1d1: {  	[sflag:s28] =	ssyncset.done $0x0  }
0x1d2: {  	[sflag:s28] =	ssyncadd.s32 $0xFFFF9800  }
0x1d3: {  	_ =	swait.ge [sflag:s0], $0x6800  }
0x1d4: {  	s8 =	simm.s32 $0x3C00;
	[sflag:s0] =	ssyncset.done $0x0  }
0x1d5: {  	s6 =	simm.s32 $0x17800;
	s7 =	simm.s32 $0x80;
	[sflag:s0] =	ssyncadd.s32 $0xFFFF9800  }
0x1d6: {  	[tilespmem:s6], [sflag:$0x1] =	stream.indirect.gather [hbm4b:s3+s23], $0x20, s8, s23, $0xb8;
	[tilespmem:$0x1E000] =	vst v63  }
.LBB2_24:
0x1d7: {  	p0 =	sne.s32 s7, $0xF80  }
.Ltmp11:
0x1d8: {  	_ = 	snop;
	(pc) =	sbr.rel @p0 .LBB2_24-.Ltmp11, $4  }
0x1d9: {  	_ = 	snop  }
0x1da: {  	s8 =	sshra.s32 s7, $0x2;
	s7 =	sadd.s32 $0x80, s7  }
0x1db: {  	s6 =	sadd.s32 $0x340, s6;
	s8 =	sadd.s32 $0x3C00, s8  }
0x1dc: {  	[tilespmem:s6], [sflag:$0x1] =	stream.indirect.gather [hbm4b:s3+s23], $0x20, s8, s23, $0xb8;
	[tilespmem:$0x1E000] =	vst v63  }
0x1dd: {  	s6 =	rddreg [dreg:$0x11];
	s8 =	simm.s32 $0xA800  }
0x1de: {  	[hbm4b:s6+s2] =	stream.linear.scatter [tilespmem:s8], [sflag:$0x2], $0x6800, $0x38;
	[tilespmem:$0x1E000] =	vst v63  }
0x1df: {  	_ =	swait.ge [sflag:s28], $0x6800  }
0x1e0: {  	[sflag:s28] =	ssyncset.done $0x0  }
0x1e1: {  	s7 =	rddreg [dreg:$0x12];
	[sflag:s28] =	ssyncadd.s32 $0xFFFF9800  }
0x1e2: {  	[hbm4b:s7+s2] =	stream.linear.scatter [tilespmem:s30], [sflag:$0x2], $0x6800, $0x38;
	[tilespmem:$0x1E000] =	vst v63  }
0x1e3: {  	_ =	swait.ge [sflag:s28], $0x6800  }
0x1e4: {  	[sflag:s28] =	ssyncset.done $0x0  }
0x1e5: {  	s7 =	rddreg [dreg:$0x13];
	[sflag:s28] =	ssyncadd.s32 $0xFFFF9800  }
0x1e6: {  	[hbm4b:s7+s2] =	stream.linear.scatter [tilespmem:s25], [sflag:$0x2], $0x6800, $0x38;
	[tilespmem:$0x1E000] =	vst v63  }
0x1e7: {  	_ =	swait.ge [sflag:s0], $0x6800  }
0x1e8: {  	[sflag:s0] =	ssyncset.done $0x0  }
0x1e9: {  	[sflag:s0] =	ssyncadd.s32 $0xFFFF9800  }
0x1ea: {  	_ =	swait.ge [sflag:s0], $0x6800  }
0x1eb: {  	[sflag:s0] =	ssyncset.done $0x0  }
0x1ec: {  	[sflag:s0] =	ssyncadd.s32 $0xFFFF9800  }
0x1ed: {  	_ =	swait.ge [sflag:s0], $0x6800  }
0x1ee: {  	[sflag:s0] =	ssyncset.done $0x0  }
0x1ef: {  	[sflag:s0] =	ssyncadd.s32 $0xFFFF9800  }
0x1f0: {  	_ =	swait.ge [sflag:s0], $0x6800  }
0x1f1: {  	s4 =	sadd.s32 $0x1, s4;
	s7 =	rddreg [dreg:$0x14]  }
0x1f2: {  	p0 =	sne.s32 s4, s7  }
.Ltmp12:
0x1f3: {  	_ = 	snop;
	(pc) =	sbr.rel @p0 .LBB2_1-.Ltmp12, $3  }
0x1f4: {  	_ =	sdelay $0x1  }
0x1f5: {  	[sflag:s0] =	ssyncset.done $0x0  }
0x1f6: {  	[sflag:s0] =	ssyncadd.s32 $0xFFFF9800  }
0x1f7: {  	_ =	sfence.sel $0x180000  }
0x1f8: {  	[bflag:$0x0] =	sbarrier.arrive $0xFFFF  }
0x1f9: {  	_ =	strace $0x90000047  }
0x1fa: {  	s0 =	stileid.u32;
	[bflag:$0x2] =	sbarrier.arrive $0xFFFF  }
0x1fb: {  	p0 =	sne.s32 s0, $0x0;
	s0 =	rddreg [dreg:$0x2]  }
0x1fc: {  	s0 =	sadd.s32 @!p0 $0x100000, s0  }
0x1fd: {  	[sflag:s0] =	ssyncadd.tile.s32 @!p0 $0x1;
	_ =	shalt  }
.Lfunc_end2:
_tile_overlayer_lowered:
.L_overlay_start_2:
0x1fe: {  	(tag) =	ssettag $0x2  }
0x1ff: {  	s0 =	rddreg [dreg:$0x0];
	s2 =	stileid.u32  }
0x200: {  	s1 =	rddreg [dreg:$0x1];
	p0 =	sne.s32 s2, $0x0  }
0x201: {  	s3 =	rddreg [dreg:$0x2];
	[bflag:$0x3] =	sbarrier.arrive $0xFFFF;
	s2 =	simm.s32 @!p0 $0x1C03  }
0x202: {  	[timem:s3], [sflag:s2] =	dma.local @!p0 [hbm:s0], s1  }
0x203: {  	s0 =	simm.s32 @!p0 $0x3  }
0x204: {  	_ =	swait.ge @!p0 [sflag:s0], s1  }
0x205: {  	s1 =	ssub.s32 @!p0 $0x0, s1;
	[sflag:s0] =	ssyncset.done @!p0 $0x0  }
0x206: {  	[sflag:s0] =	ssyncadd.s32 @!p0 s1  }
0x207: {  	[bflag:$0x3] =	sbarrier.arrive $0xFFFF  }
0x208: {  	_ =	shalt  }

// kernel: sparse-core-data-format-call.cloned.1.call-start
scs
called_computation_lowered:
.L_overlay_start_0:
0x0: {  	s2 =	sld [smem:$0x3FD9]  }
0x1: {  	s3 =	sld [smem:$0x3FFE];
	_ =	sdelay $0x1  }
0x2: {  	s1 =	srdreg.scid  }
0x3: {  	s0 =	sand.u32 $0x1, s1  }
0x4: {  	s18 =	sshll.u32 s0, $0xA;
	s2 =	sadd.s32 s3, s2  }
0x5: {  	s2 =	sadd.s32 s2, s18  }
0x6: {  	[smem:$0x3FC6] =	sst s2  }
0x7: {  	_ = 	snop  }
0x8: {  	s2 =	sld [smem:$0x3FD0];
	(tm) =	ssettm $0x1  }
0x9: {  	s19 =	sld [smem:$0x3FFB];
	_ =	sdelay $0x3  }
0xa: {  	_ =	strace s19  }
0xb: {  	s3 =	sld [smem:$0x3FFC];
	_ =	sdelay $0x3  }
0xc: {  	_ =	strace s3  }
0xd: {  	s3 =	sld [smem:$0x3FFD];
	_ =	sdelay $0x3  }
0xe: {  	_ =	strace s3  }
0xf: {  	_ =	strace $0x8FFFFFFF  }
0x10: {  	s20 =	sld [smem:$0x3FDB];
	_ =	sdelay $0x1  }
0x11: {  	s4 =	simm.s32 $_scs_section_size  }
0x12: {  	s5 =	simm.s32 $_size__tile_overlayer_lowered;
	s6 =	simm.s32 $_tile_overlayer_lowered  }
0x13: {  	s23 =	simm.s32 $0x1BFF;
	s22 =	sshll.u32 s6, $0x1;
	s3 =	sadd.s32 s4, s20  }
0x14: {  	s7 =	simm.s32 $0x0;
	s21 =	sshll.u32 s5, $0x1;
	s5 =	sadd.s32 s22, s3  }
0x15: {  	[timem:s7], [sflag:s23] =	dma.local [hbm:s5], s21  }
0x16: {  	_ =	swait.ge [sflag:s23], s21  }
0x17: {  	s4 =	ssub.s32 $0x0, s21;
	[sflag:s23] =	ssyncset.done $0x0  }
0x18: {  	[sflag:s23] =	ssyncadd.s32 s4;
	_ =	sdelay $0x1  }
0x19: {  	s24 =	simm.s32 $0x1B8B  }
0x1a: {  	_ =	swait.ge [sflag:s24], $0x1  }
0x1b: {  	[sflag:s24] =	ssyncset.done $0x0  }
0x1c: {  	s26 =	simm.s32 $0x1B8E;
	s25 =	sld [smem:$0x3FFE];
	[sflag:s24] =	ssyncadd.s32 $0xFFFFFFFF  }
0x1d: {  	s27 =	simm.s32 $execute0_lowered;
	[smem:$0x3FD2] =	sst s26  }
0x1e: {  	s5 =	sshll.u32 s27, $0x1;
	_ =	strace $0x80000049;
	[dreg:$0x1] =	wrdreg $0xFFFFFFFF  }
0x1f: {  	s28 =	simm.s32 $_size_execute0_lowered;
	s3 =	sadd.s32 s3, s5;
	[dreg:$0x0] =	wrdreg $0x0  }
0x20: {  	s5 =	sshll.u32 s28, $0x1;
	[dreg:$0x2] =	wrdreg s3  }
0x21: {  	[dreg:$0x3] =	wrdreg s5  }
0x22: {  	[dreg:$0x4] =	wrdreg $0xC0  }
0x23: {  	_ =	task [dreg:s7], $0x5FFFF  }
0x24: {  	[dreg:$0x1] =	wrdreg $0xFFFFFFFF  }
0x25: {  	[dreg:$0x0] =	wrdreg $0x60  }
0x26: {  	[dreg:$0x2] =	wrdreg s25  }
0x27: {  	[dreg:$0x3] =	wrdreg s2  }
0x28: {  	[dreg:$0x4] =	wrdreg $0x9  }
0x29: {  	_ =	task.clear_ibuf [dreg:s7], $0x5FFFF;
	_ =	strace $0x90000049  }
0x2a: {  	s29 =	simm.s32 $0x9;
	_ =	strace $0x8000004B  }
0x2b: {  	_ =	swait.ge [sflag:s29], $0x1  }
0x2c: {  	[sflag:s29] =	ssyncadd.s32 $0xFFFFFFFF  }
0x2d: {  	_ =	strace $0x9000004B  }
0x2e: {  	_ =	sfence  }
0x2f: {  	s30 =	sld [smem:$0x0];
	_ =	sdelay $0x2  }
0x30: {  	s31 =	sshll.u32 s1, $0xD;
	s1 =	sshrl.u32 s1, $0x2  }
0x31: {  	s3 =	sand.u32 $0x4000, s31;
	s1 =	sadd.s32 s1, s30  }
0x32: {  	s0 =	sor.u32 s3, s0;
	s1 =	sshll.u32 s1, $0x11  }
0x33: {  	s0 =	sor.u32 s1, s0  }
0x34: {  	s0 =	sadd.s32 $0x8F2B, s0  }
0x35: {  	[sflag:s0] =	ssyncadd.remote.s32 $0x1  }
0x36: {  	_ =	sfence.sel $0xFFFF  }
0x37: {  	[dreg:$0x0] =	wrdreg $0xFFFFFFFF;
	(pc) =	sbr.abs _section_cstart, $3  }
0x38: {  	[dreg:$0x1] =	wrdreg $0xFFFFFFFF  }
0x39: {  	_ =	task.clear_ibuf [dreg:s7], $0x2FFFF;
	_ =	strace $0x9FFFFFFF  }
0x3a: {  	(tm) =	ssettm $0x7FFFFFFF  }
0x3b: {  	_ =	shalt  }
tec
execute0_lowered:
.L_overlay_start_1:
0x0: {  	(tag) =	ssettag $0x1  }
0x1: {  	s0 =	srdreg.scid  }
0x2: {  	s1 =	sshll.u32 s0, $0x4  }
0x3: {  	s0 =	stileid.u32;
	s1 =	sand.u32 $0x10, s1  }
0x4: {  	s1 =	sor.u32 s0, s1  }
0x5: {  	s6 =	rddreg [dreg:$0x0];
	s4 =	simm.s32 $0x1;
	s2 =	sshll.u32 s1, $0x7  }
0x6: {  	s7 =	simm.s32 $0x2;
	s12 =	simm.s32 $0x0;
	s1 =	ssub.s32 $0x4000, s2  }
0x7: {  	s8 =	simm.s32 $0x20000;
	s13 =	simm.s32 $0x0;
	s3 =	sand.u32 $0xF80, s1  }
0x8: {  	s9 =	simm.s32 $0x0;
	s5 =	sshrl.u32 s1, $0xC;
	p0 =	sne.s32 s3, $0x0  }
.Ltmp0:
0x9: {  	s1 =	rddreg [dreg:$0x2];
	s4 =	simm.s32 @!p0 $0x0;
	(pc) =	sbr.rel .LBB1_1-.Ltmp0, $4  }
0xa: {  	s11 =	simm.s32 $0x0;
	s3 =	rddreg [dreg:$0x1];
	s5 =	sadd.s32 s4, s5  }
0xb: {  	_ =	strace $0x8000004A;
	s4 =	simm.s32 $0x1;
	s5 =	smul.u32 $0x1A, s5  }
0xc: {  	s6 =	sadd.s32 $0xA00, s6;
	s10 =	smov.u32 s2;
	[sflag:s4] =	ssyncpa.u1 $0x0  }
0xd: {  	p0 =	por $0x0, $0x0;
	[sflag:s7] =	ssyncpa.u1 $0x0;
	s7 =	sor.u32 $0x1, s5  }
.LBB1_4:
0xe: {  	s16 =	sshll.u32 s13, $0x3;
	s17 =	sand.u32 $0x78, s13  }
0xf: {  	s30 =	sand.u32 $0xF800, s13;
	s12 =	sshll.u32 s12, $0x10;
	s16 =	sand.u32 $0x3C00, s16  }
0x10: {  	s31 =	sand.u32 $0x7, s13;
	s16 =	sor.u32 s17, s16;
	s17 =	sadd.s32 s3, s30  }
0x11: {  	s13 =	sshll.u32 s31, $0x12;
	s16 =	sshrl.u32 s16, $0x3;
	s12 =	sadd.s32 s12, s17  }
0x12: {  	[tilespmem:s15+$0x0 ss:$0x81] =	vst.msk $0xffff, v0;
	s13 =	sor.u32 $0x400, s13;
	s12 =	sadd.s32 s16, s12  }
0x13: {  	[hbm4b:s12+s13] =	stream.strided.scatter [tilespmem:s14], [sflag:$0x2], $0x1000, s8, s13, $0x20;
	[tilespmem:$0x4040] =	vst v63  }
.LBB1_5:
0x14: {  	s14 =	sadd.s32 $0x1, s9  }
0x15: {  	s12 =	sadd.s32 $0x1000, s10;
	s16 =	smov.u32 s10;
	p2 =	sgt.s32 s14, $0x19  }
0x16: {  	s16 =	smov.u32 @p2 s12  }
0x17: {  	s14 =	simm.s32 @p2 $0x0;
	p2 =	sgt.s32 s16, $0x3FFF  }
0x18: {  	s16 =	smov.u32 @p2 s2;
	p2 =	sne.s32 s11, s7  }
.Ltmp1:
0x19: {  	p1 =	slt.u32 s11, $0x2;
	(pc) =	sbr.rel @!p2 .LBB1_6-.Ltmp1, $4  }
0x1a: {  	s15 =	simm.s32 @!p1 $0x2  }
0x1b: {  	s13 =	smov.u32 s10;
	p0 =	por !p0, !p0;
	_ =	swait.ge @!p1 [sflag:s15], $0x1000  }
0x1c: {  	s12 =	smov.u32 s9;
	[sflag:s15] =	ssyncset.done @!p1 $0x0;
	s9 =	smov.u32 s14  }
0x1d: {  	s11 =	sadd.s32 $0x1, s11;
	[sflag:s15] =	ssyncadd.s32 @!p1 $0xFFFFF000;
	s10 =	smov.u32 s16  }
.LBB1_1:
0x1e: {  	p1 =	sge.u32 s11, s5  }
0x1f: {  	s31 =	sadd.s32 $0xFFFFFFFF, s11;
	s14 =	sxor.u32 @!p1 $0xFFFFFFFF, s11  }
0x20: {  	s15 =	sshll.u32 @!p1 s10, $0x9;
	s16 =	sshll.u32 @!p1 s9, $0x4;
	s17 =	simm.s32 @!p1 $0x1000  }
0x21: {  	s14 =	sshll.u32 @!p1 s14, $0xC;
	s16 =	sand.u32 @!p1 $0x1F0, s16;
	s15 =	sadd.s32 @!p1 s6, s15  }
0x22: {  	s14 =	sand.u32 @!p1 $0x1000, s14;
	s15 =	sadd.s32 @!p1 s16, s15;
	s16 =	simm.s32 @!p1 $0x20  }
0x23: {  	[tilespmem:s14], [sflag:$0x1] =	stream.strided.gather @!p1 [hbm4b:s15+s16], $0x1000, s17, s16, $0x38;
	[tilespmem:$0x4040] =	vst v63  }
0x24: {  	p1 =	sge.u32 s31, s5  }
.Ltmp2:
0x25: {  	_ = 	snop;
	(pc) =	sbr.rel @p1 .LBB1_5-.Ltmp2, $1  }
0x26: {  	_ =	sdelay $0x3  }
0x27: {  	s14 =	simm.s32 $0x1  }
0x28: {  	_ =	swait.ge [sflag:s4], $0x1000;
	s14 =	simm.s32 @!p0 $0x0  }
0x29: {  	[sflag:s4] =	ssyncset.done $0x0;
	s15 =	sshll.u32 s14, $0xC  }
0x2a: {  	[sflag:s4] =	ssyncadd.s32 $0xFFFFF000;
	s18 =	sor.u32 $0x10, s15  }
0x2b: {  	s14 =	smul.u32 $0x4080, s14;
	v1 =	vld [tilespmem:s18+$0x0]  }
0x2c: {  	s30 =	sand.u32 $0x1, s11;
	v0 =	vld [tilespmem:s18+$0xFFFFFFF0]  }
0x2d: {  	s15 =	smul.u32 $0x4080, s30;
	s14 =	sshrl.u32 s14, $0x2  }
0x2e: {  	s16 =	sor.u32 $0x2000, s14  }
0x2f: {  	s31 =	sshrl.u32 s15, $0x2;
	s15 =	sadd.s32 $0x0, s16  }
0x30: {  	s17 =	simm.s32 $0x4;
	s18 =	sadd.s32 $0x20, s18;
	s14 =	sor.u32 $0x2000, s31;
	[tilespmem:s15+$0x810 ss:$0x81] =	vst.msk $0xffff, v1  }
.LBB1_3:
0x31: {  	v1 =	vld [tilespmem:s18+$0x0];
	p1 =	sne.s32 s17, $0x1FC;
	[tilespmem:s15+$0x0 ss:$0x81] =	vst.msk $0xffff, v0;
	s15 =	smov.u32 s17;
	s17 =	sadd.s32 $0x4, s17  }
.Ltmp3:
0x32: {  	v0 =	vld [tilespmem:s18+$0xFFFFFFF0];
	(pc) =	sbr.rel @p1 .LBB1_3-.Ltmp3, $4  }
0x33: {  	_ = 	snop  }
0x34: {  	s15 =	sshra.s32 s15, $0x2  }
0x35: {  	s15 =	sadd.s32 s15, s16  }
0x36: {  	s18 =	sadd.s32 $0x20, s18;
	[tilespmem:s15+$0x810 ss:$0x81] =	vst.msk $0xffff, v1  }
.Ltmp4:
0x37: {  	_ = 	snop;
	(pc) =	sbr.rel .LBB1_4-.Ltmp4, $1  }
0x38: {  	_ =	sdelay $0x3  }
.LBB1_6:
0x39: {  	_ =	sfence.sel $0x180000  }
0x3a: {  	s2 =	simm.s32 $0x1;
	[bflag:$0x0] =	sbarrier.arrive $0xFFFF  }
0x3b: {  	s31 =	simm.s32 $0x2;
	[sflag:s2] =	ssyncpa.u1 $0x1  }
0x3c: {  	[sflag:s31] =	ssyncpa.u1 $0x1  }
0x3d: {  	p0 =	sne.s32 s0, $0x0;
	_ =	strace $0x9000004A  }
0x3e: {  	s0 =	sadd.s32 @!p0 $0x100000, s1;
	[bflag:$0x2] =	sbarrier.arrive $0xFFFF  }
0x3f: {  	[sflag:s0] =	ssyncadd.tile.s32 @!p0 $0x1;
	_ =	shalt  }
.Lfunc_end1:
_tile_overlayer_lowered:
.L_overlay_start_2:
0x40: {  	(tag) =	ssettag $0x2  }
0x41: {  	s0 =	rddreg [dreg:$0x0];
	s2 =	stileid.u32  }
0x42: {  	s1 =	rddreg [dreg:$0x1];
	p0 =	sne.s32 s2, $0x0  }
0x43: {  	s3 =	rddreg [dreg:$0x2];
	[bflag:$0x3] =	sbarrier.arrive $0xFFFF;
	s2 =	simm.s32 @!p0 $0x1C01  }
0x44: {  	[timem:s3], [sflag:s2] =	dma.local @!p0 [hbm:s0], s1  }
0x45: {  	s0 =	simm.s32 @!p0 $0x1  }
0x46: {  	_ =	swait.ge @!p0 [sflag:s0], s1  }
0x47: {  	s1 =	ssub.s32 @!p0 $0x0, s1;
	[sflag:s0] =	ssyncset.done @!p0 $0x0  }
0x48: {  	[sflag:s0] =	ssyncadd.s32 @!p0 s1  }
0x49: {  	[bflag:$0x3] =	sbarrier.arrive $0xFFFF  }
0x4a: {  	_ =	shalt  }

</sc_bundles>
